<compile_context>
chip_gen: v7x
topology: tpu7x:2x2x1
jax: 0.10.2.dev20260603
libtpu: 0.0.44.dev20260713+nightly
codegen_flags: <defaults>
</compile_context>

<pallas_src>
import functools

import jax
import jax.numpy as jnp
from jax import lax
from jax.experimental import pallas as pl
from jax.experimental.pallas import tpu as pltpu
from jax.experimental.pallas import tpu_sc as plsc

N_NODES = 10000
N_EDGES = 320000
D_X = 128
D_E = 16
D_U = 16
N_GRAPHS = 16
H = 128

NC = 2
NS = 16
NW = NC * NS
EPW = N_EDGES // NW
CH = 80
NCH = EPW // CH
SUP = 2000
NSUP = EPW // SUP
CH_PER_SUP = SUP // CH
NPAD = 10240
NPT = NPAD // NS

BN = 1000
GRID = N_NODES // BN


def _sc_scatter_body(attr_h, dst_h, ones_h, zeros_h, zeros1_h, esum_h, cnt_h,
                     idx_v, upd_v0, upd_v1, ones_v, acc_e, acc_c,
                     sem_l0, sem_l1, sem_e, sem_c):
    c = lax.axis_index("c")
    s = lax.axis_index("s")
    wid = s * NC + c
    base = wid * EPW

    pltpu.sync_copy(zeros_h, acc_e.at[pl.ds(s * NPT, NPT)])
    pltpu.sync_copy(zeros1_h, acc_c.at[pl.ds(s * NPT, NPT)])
    pltpu.sync_copy(ones_h, ones_v)
    pltpu.sync_copy(dst_h.at[pl.ds(base, EPW)], idx_v)
    plsc.subcore_barrier()

    bufs = (upd_v0, upd_v1)
    sems = (sem_l0, sem_l1)
    loads = [None, None]
    loads[0] = pltpu.async_copy(attr_h.at[pl.ds(base, SUP)], upd_v0, sem_l0)
    for sup in range(NSUP):
        cur = bufs[sup % 2]
        loads[sup % 2].wait()
        if sup + 1 < NSUP:
            loads[(sup + 1) % 2] = pltpu.async_copy(
                attr_h.at[pl.ds(base + (sup + 1) * SUP, SUP)],
                bufs[(sup + 1) % 2], sems[(sup + 1) % 2])

        def inner(k, carry, sup=sup, cur=cur):
            j = sup * CH_PER_SUP + k
            ce = pltpu.async_copy(cur.at[pl.ds(k * CH, CH)],
                                  acc_e.at[idx_v.at[pl.ds(j * CH, CH)]], sem_e, add=True)
            cc = pltpu.async_copy(ones_v, acc_c.at[idx_v.at[pl.ds(j * CH, CH)]], sem_c, add=True)
            ce.wait()
            cc.wait()
            return carry

        lax.fori_loop(0, CH_PER_SUP, inner, 0)

    plsc.subcore_barrier()
    pltpu.sync_copy(acc_e.at[pl.ds(s * NPT, NPT)], esum_h.at[c, pl.ds(s * NPT, NPT)])
    pltpu.sync_copy(acc_c.at[pl.ds(s * NPT, NPT)], cnt_h.at[c, s])


_sc_scatter = functools.partial(
    pl.kernel,
    mesh=plsc.VectorSubcoreMesh(core_axis_name="c", subcore_axis_name="s"),
    out_type=[
        jax.ShapeDtypeStruct((NC, NPAD, D_E), jnp.float32),
        jax.ShapeDtypeStruct((NC, NS, NPT), jnp.float32),
    ],
    scratch_types=[
        pltpu.VMEM((EPW,), jnp.int32),
        pltpu.VMEM((SUP, D_E), jnp.float32),
        pltpu.VMEM((SUP, D_E), jnp.float32),
        pltpu.VMEM((CH,), jnp.float32),
        pltpu.VMEM_SHARED((NPAD, D_E), jnp.float32),
        pltpu.VMEM_SHARED((NPAD,), jnp.float32),
        pltpu.SemaphoreType.DMA,
        pltpu.SemaphoreType.DMA,
        pltpu.SemaphoreType.DMA,
        pltpu.SemaphoreType.DMA,
    ],
    compiler_params=pltpu.CompilerParams(use_tc_tiling_on_sc=False),
)(_sc_scatter_body)


def _tc_mlp_body(x_ref, es_ref, cn_ref, oh_ref, u_ref, w1x_ref, w1e_ref,
                 w1u_ref, b1_ref, w2_ref, b2_ref, o_ref):
    i = pl.program_id(0)
    es = es_ref[0] + es_ref[1]
    cn = cn_ref[0, i] + cn_ref[1, i]
    e_agg = es / jnp.maximum(cn.reshape(BN, 1), 1.0)

    ub = jnp.dot(u_ref[...], w1u_ref[...], preferred_element_type=jnp.float32)

    h = (jnp.dot(x_ref[...], w1x_ref[...], preferred_element_type=jnp.float32)
         + jnp.dot(e_agg, w1e_ref[...], preferred_element_type=jnp.float32)
         + jnp.dot(oh_ref[...], ub, preferred_element_type=jnp.float32)
         + b1_ref[...])
    h = jnp.maximum(h, 0.0)
    o_ref[...] = jnp.dot(h, w2_ref[...], preferred_element_type=jnp.float32) + b2_ref[...]


def _tc_mlp(x, esum, cnt, oh, u, W1x, W1e, W1u, b1r, W2, b2r):
    return pl.pallas_call(
        _tc_mlp_body,
        grid=(GRID,),
        in_specs=[
            pl.BlockSpec((BN, D_X), lambda i: (i, 0)),
            pl.BlockSpec((NC, BN, D_E), lambda i: (0, i, 0)),
            pl.BlockSpec((NC, GRID, BN), lambda i: (0, 0, 0)),
            pl.BlockSpec((BN, N_GRAPHS), lambda i: (i, 0)),
            pl.BlockSpec((N_GRAPHS, D_U), lambda i: (0, 0)),
            pl.BlockSpec((D_X, H), lambda i: (0, 0)),
            pl.BlockSpec((D_E, H), lambda i: (0, 0)),
            pl.BlockSpec((D_U, H), lambda i: (0, 0)),
            pl.BlockSpec((1, H), lambda i: (0, 0)),
            pl.BlockSpec((H, D_X), lambda i: (0, 0)),
            pl.BlockSpec((1, D_X), lambda i: (0, 0)),
        ],
        out_specs=pl.BlockSpec((BN, D_X), lambda i: (i, 0)),
        out_shape=jax.ShapeDtypeStruct((N_NODES, D_X), jnp.float32),
    )(x, esum, cnt, oh, u, W1x, W1e, W1u, b1r, W2, b2r)


def kernel(x, edge_index, edge_attr, u, batch, W1, b1, W2, b2):
    dst = edge_index[1]
    ones = jnp.ones((CH,), jnp.float32)
    zeros = jnp.zeros((NPT, D_E), jnp.float32)
    zeros1 = jnp.zeros((NPT,), jnp.float32)

    esum, cnt = _sc_scatter(edge_attr, dst, ones, zeros, zeros1)
    cnt = cnt.reshape(NC, NPAD)[:, :N_NODES].reshape(NC, GRID, BN)

    oh = jax.nn.one_hot(batch, N_GRAPHS, dtype=jnp.float32)
    W1x = W1[:D_X]
    W1e = W1[D_X:D_X + D_E]
    W1u = W1[D_X + D_E:]
    return _tc_mlp(x, esum, cnt, oh, u, W1x, W1e, W1u,
                   b1.reshape(1, H), W2, b2.reshape(1, D_X))

# --- scband reference (transcript-rebuilt; emitter-appended) ---
"""Pipeline reference for scband-node-model-5188320494485 (READ-ONLY COPY).

The authoritative reference and input builder live on the scoring server;
editing this copy changes nothing except your own understanding.
"""

import jax, jax.numpy as jnp
import numpy as np

N_NODES = 10000
N_EDGES = 320000
D_X = 128
D_E = 16
D_U = 16
N_GRAPHS = 16
H = 128


def setup_inputs(seed: int = 0) -> dict:
    key = jax.random.key(seed)
    ks = jax.random.split(key, 10)
    x = jax.random.normal(ks[0], (N_NODES, D_X), dtype=jnp.float32)
    edge_index = jax.random.randint(ks[1], (2, N_EDGES), 0, N_NODES, dtype=jnp.int32)
    edge_attr = jax.random.normal(ks[2], (N_EDGES, D_E), dtype=jnp.float32)
    u = jax.random.normal(ks[3], (N_GRAPHS, D_U), dtype=jnp.float32)
    batch = jnp.sort(jax.random.randint(ks[4], (N_NODES,), 0, N_GRAPHS, dtype=jnp.int32))
    d_in = D_E + D_X + D_U
    W1 = jax.random.normal(ks[5], (d_in, H), dtype=jnp.float32) * (1.0 / np.sqrt(d_in))
    b1 = jnp.zeros((H,), dtype=jnp.float32)
    W2 = jax.random.normal(ks[6], (H, D_X), dtype=jnp.float32) * (1.0 / np.sqrt(H))
    b2 = jnp.zeros((D_X,), dtype=jnp.float32)
    return {"x": x, "edge_index": edge_index, "edge_attr": edge_attr, "u": u,
            "batch": batch, "W1": W1, "b1": b1, "W2": W2, "b2": b2}


def reference(x, edge_index, edge_attr, u, batch, W1, b1, W2, b2):
    # row, col = edge_index
    col = edge_index[1]
    # scatter_mean(edge_attr, col, dim=0) with output rows == N_NODES
    e_sum = jax.ops.segment_sum(edge_attr, col, num_segments=N_NODES)
    cnt = jax.ops.segment_sum(jnp.ones((edge_attr.shape[0], 1), dtype=edge_attr.dtype),
                              col, num_segments=N_NODES)
    e_agg_node = e_sum / jnp.clip(cnt, 1.0, None)
    out = jnp.concatenate([x, e_agg_node, u[batch]], axis=1)
    h1 = jax.nn.relu(out @ W1 + b1)
    return h1 @ W2 + b2

if __name__ == "__main__":
    import jax
    _d = setup_inputs()
    print(jax.jit(kernel)(*tuple(_d.values())))

</pallas_src>

<mosaic_0001>
#map = affine_map<(d0, d1) -> (0, 0)>
#map1 = affine_map<(d0, d1) -> (0)>
#map2 = affine_map<(d0, d1) -> (0, 0, 0)>
module attributes {stable_mosaic.version = 14 : i64} {
  func.func @_sc_scatter_body(%arg0: i32, %arg1: i32, %arg2: memref<320000x16xf32, #tpu.memory_space<hbm>>, %arg3: memref<320000xi32, #tpu.memory_space<hbm>>, %arg4: memref<80xf32, #tpu.memory_space<hbm>>, %arg5: memref<640x16xf32, #tpu.memory_space<hbm>>, %arg6: memref<640xf32, #tpu.memory_space<hbm>>, %arg7: memref<2x10240x16xf32, #tpu.memory_space<hbm>>, %arg8: memref<2x16x640xf32, #tpu.memory_space<hbm>>, %arg9: memref<10000xi32, #tpu.memory_space<vmem>>, %arg10: memref<2000x16xf32, #tpu.memory_space<vmem>>, %arg11: memref<2000x16xf32, #tpu.memory_space<vmem>>, %arg12: memref<80xf32, #tpu.memory_space<vmem>>, %arg13: memref<10240x16xf32, #tpu.memory_space<vmem_shared>>, %arg14: memref<10240xf32, #tpu.memory_space<vmem_shared>>, %arg15: memref<!tpu.dma_semaphore, #tpu.memory_space<semaphore_mem>>, %arg16: memref<!tpu.dma_semaphore, #tpu.memory_space<semaphore_mem>>, %arg17: memref<!tpu.dma_semaphore, #tpu.memory_space<semaphore_mem>>, %arg18: memref<!tpu.dma_semaphore, #tpu.memory_space<semaphore_mem>>) attributes {dimension_semantics = [#tpu.dimension_semantics<core_parallel>, #tpu.dimension_semantics<subcore_parallel>], iteration_bounds = array<i64: 2, 16>, scalar_prefetch = 0 : i64, scratch_operands = 10 : i64, tpu.core_type = #tpu.core_type<sc_vector_subcore>, window_params = [{transform_indices = #map}, {transform_indices = #map1}, {transform_indices = #map1}, {transform_indices = #map}, {transform_indices = #map1}, {transform_indices = #map2}, {transform_indices = #map2}]} {
    %mul3A = arith.constant 2 : i32
    %mul3A_0 = arith.muli %arg1, %mul3A : i32
    %add3A = arith.addi %mul3A_0, %arg0 : i32
    %mul3A_1 = arith.constant 10000 : i32
    %mul3A_2 = arith.muli %add3A, %mul3A_1 : i32
    %mul3A_3 = arith.constant 640 : i32
    %mul3A_4 = arith.muli %arg1, %mul3A_3 : i32
    "tpu.region"() ({
      %run_scoped3A = tpu.sem_alloc : memref<!tpu.dma_semaphore, #tpu.memory_space<semaphore_mem>>
      %dma_start3A_89 = arith.constant 0 : i32
      %dma_start3A_90 = tpu.memref_slice %arg13[%mul3A_4, %dma_start3A_89] : memref<10240x16xf32, #tpu.memory_space<vmem_shared>> -> memref<640x16xf32, #tpu.memory_space<vmem_shared>>
      tpu.enqueue_dma source(%arg5 : memref<640x16xf32, #tpu.memory_space<hbm>>) target(%dma_start3A_90 : memref<640x16xf32, #tpu.memory_space<vmem_shared>>) target_semaphore(%run_scoped3A : memref<!tpu.dma_semaphore, #tpu.memory_space<semaphore_mem>>)
      %dma_wait3A_91 = arith.constant 0 : i32
      %dma_wait3A_92 = tpu.memref_slice %arg13[%mul3A_4, %dma_wait3A_91] : memref<10240x16xf32, #tpu.memory_space<vmem_shared>> -> memref<640x16xf32, #tpu.memory_space<vmem_shared>>
      tpu.wait_dma2 semaphore(%run_scoped3A : memref<!tpu.dma_semaphore, #tpu.memory_space<semaphore_mem>>) src(%arg5 : memref<640x16xf32, #tpu.memory_space<hbm>>) dst(%dma_wait3A_92 : memref<640x16xf32, #tpu.memory_space<vmem_shared>>)
      tpu.yield
    }) : () -> ()
    %mul3A_5 = arith.constant 640 : i32
    %mul3A_6 = arith.muli %arg1, %mul3A_5 : i32
    "tpu.region"() ({
      %run_scoped3A = tpu.sem_alloc : memref<!tpu.dma_semaphore, #tpu.memory_space<semaphore_mem>>
      %dma_start3A_89 = tpu.memref_slice %arg14[%mul3A_6] : memref<10240xf32, #tpu.memory_space<vmem_shared>> -> memref<640xf32, #tpu.memory_space<vmem_shared>>
      tpu.enqueue_dma source(%arg6 : memref<640xf32, #tpu.memory_space<hbm>>) target(%dma_start3A_89 : memref<640xf32, #tpu.memory_space<vmem_shared>>) target_semaphore(%run_scoped3A : memref<!tpu.dma_semaphore, #tpu.memory_space<semaphore_mem>>)
      %dma_wait3A_90 = tpu.memref_slice %arg14[%mul3A_6] : memref<10240xf32, #tpu.memory_space<vmem_shared>> -> memref<640xf32, #tpu.memory_space<vmem_shared>>
      tpu.wait_dma2 semaphore(%run_scoped3A : memref<!tpu.dma_semaphore, #tpu.memory_space<semaphore_mem>>) src(%arg6 : memref<640xf32, #tpu.memory_space<hbm>>) dst(%dma_wait3A_90 : memref<640xf32, #tpu.memory_space<vmem_shared>>)
      tpu.yield
    }) : () -> ()
    "tpu.region"() ({
      %run_scoped3A = tpu.sem_alloc : memref<!tpu.dma_semaphore, #tpu.memory_space<semaphore_mem>>
      tpu.enqueue_dma source(%arg4 : memref<80xf32, #tpu.memory_space<hbm>>) target(%arg12 : memref<80xf32, #tpu.memory_space<vmem>>) target_semaphore(%run_scoped3A : memref<!tpu.dma_semaphore, #tpu.memory_space<semaphore_mem>>)
      tpu.wait_dma2 semaphore(%run_scoped3A : memref<!tpu.dma_semaphore, #tpu.memory_space<semaphore_mem>>) src(%arg4 : memref<80xf32, #tpu.memory_space<hbm>>) dst(%arg12 : memref<80xf32, #tpu.memory_space<vmem>>)
      tpu.yield
    }) : () -> ()
    "tpu.region"() ({
      %run_scoped3A = tpu.sem_alloc : memref<!tpu.dma_semaphore, #tpu.memory_space<semaphore_mem>>
      %dma_start3A_89 = tpu.memref_slice %arg3[%mul3A_2] : memref<320000xi32, #tpu.memory_space<hbm>> -> memref<10000xi32, #tpu.memory_space<hbm>>
      %dma_start3A_90 = tpu.memref_slice %arg3[%mul3A_2] : memref<320000xi32, #tpu.memory_space<hbm>> -> memref<10000xi32, #tpu.memory_space<hbm>>
      tpu.enqueue_dma source(%dma_start3A_90 : memref<10000xi32, #tpu.memory_space<hbm>>) target(%arg9 : memref<10000xi32, #tpu.memory_space<vmem>>) target_semaphore(%run_scoped3A : memref<!tpu.dma_semaphore, #tpu.memory_space<semaphore_mem>>)
      %dma_wait3A_91 = tpu.memref_slice %arg3[%mul3A_2] : memref<320000xi32, #tpu.memory_space<hbm>> -> memref<10000xi32, #tpu.memory_space<hbm>>
      %dma_wait3A_92 = tpu.memref_slice %arg3[%mul3A_2] : memref<320000xi32, #tpu.memory_space<hbm>> -> memref<10000xi32, #tpu.memory_space<hbm>>
      tpu.wait_dma2 semaphore(%run_scoped3A : memref<!tpu.dma_semaphore, #tpu.memory_space<semaphore_mem>>) src(%dma_wait3A_92 : memref<10000xi32, #tpu.memory_space<hbm>>) dst(%arg9 : memref<10000xi32, #tpu.memory_space<vmem>>)
      tpu.yield
    }) : () -> ()
    %barrier3A = arith.constant 0 : index
    tpu.barrier barrier_id(%barrier3A)
    %dma_start3A = arith.constant 0 : i32
    %dma_start3A_7 = tpu.memref_slice %arg2[%mul3A_2, %dma_start3A] : memref<320000x16xf32, #tpu.memory_space<hbm>> -> memref<2000x16xf32, #tpu.memory_space<hbm>>
    %dma_start3A_8 = arith.constant 0 : i32
    %dma_start3A_9 = tpu.memref_slice %arg2[%mul3A_2, %dma_start3A_8] : memref<320000x16xf32, #tpu.memory_space<hbm>> -> memref<2000x16xf32, #tpu.memory_space<hbm>>
    tpu.enqueue_dma source(%dma_start3A_9 : memref<2000x16xf32, #tpu.memory_space<hbm>>) target(%arg10 : memref<2000x16xf32, #tpu.memory_space<vmem>>) target_semaphore(%arg15 : memref<!tpu.dma_semaphore, #tpu.memory_space<semaphore_mem>>)
    %dma_wait3A = arith.constant 0 : i32
    %dma_wait3A_10 = tpu.memref_slice %arg2[%mul3A_2, %dma_wait3A] : memref<320000x16xf32, #tpu.memory_space<hbm>> -> memref<2000x16xf32, #tpu.memory_space<hbm>>
    %dma_wait3A_11 = arith.constant 0 : i32
    %dma_wait3A_12 = tpu.memref_slice %arg2[%mul3A_2, %dma_wait3A_11] : memref<320000x16xf32, #tpu.memory_space<hbm>> -> memref<2000x16xf32, #tpu.memory_space<hbm>>
    tpu.wait_dma2 semaphore(%arg15 : memref<!tpu.dma_semaphore, #tpu.memory_space<semaphore_mem>>) src(%dma_wait3A_12 : memref<2000x16xf32, #tpu.memory_space<hbm>>) dst(%arg10 : memref<2000x16xf32, #tpu.memory_space<vmem>>)
    %add3A_13 = arith.constant 2000 : i32
    %add3A_14 = arith.addi %mul3A_2, %add3A_13 : i32
    %dma_start3A_15 = arith.constant 0 : i32
    %dma_start3A_16 = tpu.memref_slice %arg2[%add3A_14, %dma_start3A_15] : memref<320000x16xf32, #tpu.memory_space<hbm>> -> memref<2000x16xf32, #tpu.memory_space<hbm>>
    %dma_start3A_17 = arith.constant 0 : i32
    %dma_start3A_18 = tpu.memref_slice %arg2[%add3A_14, %dma_start3A_17] : memref<320000x16xf32, #tpu.memory_space<hbm>> -> memref<2000x16xf32, #tpu.memory_space<hbm>>
    tpu.enqueue_dma source(%dma_start3A_18 : memref<2000x16xf32, #tpu.memory_space<hbm>>) target(%arg11 : memref<2000x16xf32, #tpu.memory_space<vmem>>) target_semaphore(%arg16 : memref<!tpu.dma_semaphore, #tpu.memory_space<semaphore_mem>>)
    %scan3A = arith.constant 0 : i32
    %scan3A_19 = arith.constant 0 : i32
    %scan3A_20 = arith.constant 25 : i32
    %scan3A_21 = arith.addi %scan3A_19, %scan3A_20 : i32
    %scan3A_22 = arith.constant 1 : i32
    scf.for %scan3A_89 = %scan3A_19 to %scan3A_21 step %scan3A_22  : i32 {
      %add3A_90 = arith.constant 0 : i32
      %add3A_91 = arith.addi %add3A_90, %scan3A_89 : i32
      %mul3A_92 = arith.constant 80 : i32
      %mul3A_93 = arith.muli %scan3A_89, %mul3A_92 : i32
      %mul3A_94 = arith.constant 80 : i32
      %mul3A_95 = arith.muli %add3A_91, %mul3A_94 : i32
      %dma_start3A_96 = arith.constant 0 : i32
      %dma_start3A_97 = tpu.memref_slice %arg10[%mul3A_93, %dma_start3A_96] : memref<2000x16xf32, #tpu.memory_space<vmem>> -> memref<80x16xf32, #tpu.memory_space<vmem>>
      %dma_start3A_98 = tpu.memref_slice %arg9[%mul3A_95] : memref<10000xi32, #tpu.memory_space<vmem>> -> memref<80xi32, #tpu.memory_space<vmem>>
      %dma_start3A_99 = arith.constant 0 : i32
      %dma_start3A_100 = arith.constant 0 : i32
      %dma_start3A_101 = tpu.memref_slice %arg13[%dma_start3A_99, %dma_start3A_100] : memref<10240x16xf32, #tpu.memory_space<vmem_shared>> -> memref<10240x16xf32, #tpu.memory_space<vmem_shared>>
      tpu.enqueue_indirect_dma source(%dma_start3A_97 : memref<80x16xf32, #tpu.memory_space<vmem>>) target(%dma_start3A_101 : memref<10240x16xf32, #tpu.memory_space<vmem_shared>>) offsets(%dma_start3A_98 : memref<80xi32, #tpu.memory_space<vmem>>) semaphore(%arg17 : memref<!tpu.dma_semaphore, #tpu.memory_space<semaphore_mem>>) {add = true}
      %mul3A_102 = arith.constant 80 : i32
      %mul3A_103 = arith.muli %add3A_91, %mul3A_102 : i32
      %dma_start3A_104 = tpu.memref_slice %arg9[%mul3A_103] : memref<10000xi32, #tpu.memory_space<vmem>> -> memref<80xi32, #tpu.memory_space<vmem>>
      %dma_start3A_105 = arith.constant 0 : i32
      %dma_start3A_106 = tpu.memref_slice %arg14[%dma_start3A_105] : memref<10240xf32, #tpu.memory_space<vmem_shared>> -> memref<10240xf32, #tpu.memory_space<vmem_shared>>
      tpu.enqueue_indirect_dma source(%arg12 : memref<80xf32, #tpu.memory_space<vmem>>) target(%dma_start3A_106 : memref<10240xf32, #tpu.memory_space<vmem_shared>>) offsets(%dma_start3A_104 : memref<80xi32, #tpu.memory_space<vmem>>) semaphore(%arg18 : memref<!tpu.dma_semaphore, #tpu.memory_space<semaphore_mem>>) {add = true}
      %dma_wait3A_107 = arith.constant 0 : i32
      %dma_wait3A_108 = tpu.memref_slice %arg10[%mul3A_93, %dma_wait3A_107] : memref<2000x16xf32, #tpu.memory_space<vmem>> -> memref<80x16xf32, #tpu.memory_space<vmem>>
      %dma_wait3A_109 = tpu.memref_slice %arg9[%mul3A_95] : memref<10000xi32, #tpu.memory_space<vmem>> -> memref<80xi32, #tpu.memory_space<vmem>>
      %dma_wait3A_110 = arith.constant 0 : i32
      %dma_wait3A_111 = arith.constant 0 : i32
      %dma_wait3A_112 = tpu.memref_slice %arg13[%dma_wait3A_110, %dma_wait3A_111] : memref<10240x16xf32, #tpu.memory_space<vmem_shared>> -> memref<10240x16xf32, #tpu.memory_space<vmem_shared>>
      tpu.wait_indirect_dma semaphore(%arg17 : memref<!tpu.dma_semaphore, #tpu.memory_space<semaphore_mem>>) src(%dma_wait3A_108 : memref<80x16xf32, #tpu.memory_space<vmem>>) dst(%dma_wait3A_112 : memref<10240x16xf32, #tpu.memory_space<vmem_shared>>)
      %dma_wait3A_113 = tpu.memref_slice %arg9[%mul3A_103] : memref<10000xi32, #tpu.memory_space<vmem>> -> memref<80xi32, #tpu.memory_space<vmem>>
      %dma_wait3A_114 = arith.constant 0 : i32
      %dma_wait3A_115 = tpu.memref_slice %arg14[%dma_wait3A_114] : memref<10240xf32, #tpu.memory_space<vmem_shared>> -> memref<10240xf32, #tpu.memory_space<vmem_shared>>
      tpu.wait_indirect_dma semaphore(%arg18 : memref<!tpu.dma_semaphore, #tpu.memory_space<semaphore_mem>>) src(%arg12 : memref<80xf32, #tpu.memory_space<vmem>>) dst(%dma_wait3A_115 : memref<10240xf32, #tpu.memory_space<vmem_shared>>)
    }
    %scan3A_23 = arith.constant 25 : i32
    %dma_wait3A_24 = arith.constant 0 : i32
    %dma_wait3A_25 = tpu.memref_slice %arg2[%add3A_14, %dma_wait3A_24] : memref<320000x16xf32, #tpu.memory_space<hbm>> -> memref<2000x16xf32, #tpu.memory_space<hbm>>
    %dma_wait3A_26 = arith.constant 0 : i32
    %dma_wait3A_27 = tpu.memref_slice %arg2[%add3A_14, %dma_wait3A_26] : memref<320000x16xf32, #tpu.memory_space<hbm>> -> memref<2000x16xf32, #tpu.memory_space<hbm>>
    tpu.wait_dma2 semaphore(%arg16 : memref<!tpu.dma_semaphore, #tpu.memory_space<semaphore_mem>>) src(%dma_wait3A_27 : memref<2000x16xf32, #tpu.memory_space<hbm>>) dst(%arg11 : memref<2000x16xf32, #tpu.memory_space<vmem>>)
    %add3A_28 = arith.constant 4000 : i32
    %add3A_29 = arith.addi %mul3A_2, %add3A_28 : i32
    %dma_start3A_30 = arith.constant 0 : i32
    %dma_start3A_31 = tpu.memref_slice %arg2[%add3A_29, %dma_start3A_30] : memref<320000x16xf32, #tpu.memory_space<hbm>> -> memref<2000x16xf32, #tpu.memory_space<hbm>>
    %dma_start3A_32 = arith.constant 0 : i32
    %dma_start3A_33 = tpu.memref_slice %arg2[%add3A_29, %dma_start3A_32] : memref<320000x16xf32, #tpu.memory_space<hbm>> -> memref<2000x16xf32, #tpu.memory_space<hbm>>
    tpu.enqueue_dma source(%dma_start3A_33 : memref<2000x16xf32, #tpu.memory_space<hbm>>) target(%arg10 : memref<2000x16xf32, #tpu.memory_space<vmem>>) target_semaphore(%arg15 : memref<!tpu.dma_semaphore, #tpu.memory_space<semaphore_mem>>)
    %scan3A_34 = arith.constant 0 : i32
    %scan3A_35 = arith.constant 0 : i32
    %scan3A_36 = arith.constant 25 : i32
    %scan3A_37 = arith.addi %scan3A_35, %scan3A_36 : i32
    %scan3A_38 = arith.constant 1 : i32
    scf.for %scan3A_89 = %scan3A_35 to %scan3A_37 step %scan3A_38  : i32 {
      %add3A_90 = arith.constant 25 : i32
      %add3A_91 = arith.addi %add3A_90, %scan3A_89 : i32
      %mul3A_92 = arith.constant 80 : i32
      %mul3A_93 = arith.muli %scan3A_89, %mul3A_92 : i32
      %mul3A_94 = arith.constant 80 : i32
      %mul3A_95 = arith.muli %add3A_91, %mul3A_94 : i32
      %dma_start3A_96 = arith.constant 0 : i32
      %dma_start3A_97 = tpu.memref_slice %arg11[%mul3A_93, %dma_start3A_96] : memref<2000x16xf32, #tpu.memory_space<vmem>> -> memref<80x16xf32, #tpu.memory_space<vmem>>
      %dma_start3A_98 = tpu.memref_slice %arg9[%mul3A_95] : memref<10000xi32, #tpu.memory_space<vmem>> -> memref<80xi32, #tpu.memory_space<vmem>>
      %dma_start3A_99 = arith.constant 0 : i32
      %dma_start3A_100 = arith.constant 0 : i32
      %dma_start3A_101 = tpu.memref_slice %arg13[%dma_start3A_99, %dma_start3A_100] : memref<10240x16xf32, #tpu.memory_space<vmem_shared>> -> memref<10240x16xf32, #tpu.memory_space<vmem_shared>>
      tpu.enqueue_indirect_dma source(%dma_start3A_97 : memref<80x16xf32, #tpu.memory_space<vmem>>) target(%dma_start3A_101 : memref<10240x16xf32, #tpu.memory_space<vmem_shared>>) offsets(%dma_start3A_98 : memref<80xi32, #tpu.memory_space<vmem>>) semaphore(%arg17 : memref<!tpu.dma_semaphore, #tpu.memory_space<semaphore_mem>>) {add = true}
      %mul3A_102 = arith.constant 80 : i32
      %mul3A_103 = arith.muli %add3A_91, %mul3A_102 : i32
      %dma_start3A_104 = tpu.memref_slice %arg9[%mul3A_103] : memref<10000xi32, #tpu.memory_space<vmem>> -> memref<80xi32, #tpu.memory_space<vmem>>
      %dma_start3A_105 = arith.constant 0 : i32
      %dma_start3A_106 = tpu.memref_slice %arg14[%dma_start3A_105] : memref<10240xf32, #tpu.memory_space<vmem_shared>> -> memref<10240xf32, #tpu.memory_space<vmem_shared>>
      tpu.enqueue_indirect_dma source(%arg12 : memref<80xf32, #tpu.memory_space<vmem>>) target(%dma_start3A_106 : memref<10240xf32, #tpu.memory_space<vmem_shared>>) offsets(%dma_start3A_104 : memref<80xi32, #tpu.memory_space<vmem>>) semaphore(%arg18 : memref<!tpu.dma_semaphore, #tpu.memory_space<semaphore_mem>>) {add = true}
      %dma_wait3A_107 = arith.constant 0 : i32
      %dma_wait3A_108 = tpu.memref_slice %arg11[%mul3A_93, %dma_wait3A_107] : memref<2000x16xf32, #tpu.memory_space<vmem>> -> memref<80x16xf32, #tpu.memory_space<vmem>>
      %dma_wait3A_109 = tpu.memref_slice %arg9[%mul3A_95] : memref<10000xi32, #tpu.memory_space<vmem>> -> memref<80xi32, #tpu.memory_space<vmem>>
      %dma_wait3A_110 = arith.constant 0 : i32
      %dma_wait3A_111 = arith.constant 0 : i32
      %dma_wait3A_112 = tpu.memref_slice %arg13[%dma_wait3A_110, %dma_wait3A_111] : memref<10240x16xf32, #tpu.memory_space<vmem_shared>> -> memref<10240x16xf32, #tpu.memory_space<vmem_shared>>
      tpu.wait_indirect_dma semaphore(%arg17 : memref<!tpu.dma_semaphore, #tpu.memory_space<semaphore_mem>>) src(%dma_wait3A_108 : memref<80x16xf32, #tpu.memory_space<vmem>>) dst(%dma_wait3A_112 : memref<10240x16xf32, #tpu.memory_space<vmem_shared>>)
      %dma_wait3A_113 = tpu.memref_slice %arg9[%mul3A_103] : memref<10000xi32, #tpu.memory_space<vmem>> -> memref<80xi32, #tpu.memory_space<vmem>>
      %dma_wait3A_114 = arith.constant 0 : i32
      %dma_wait3A_115 = tpu.memref_slice %arg14[%dma_wait3A_114] : memref<10240xf32, #tpu.memory_space<vmem_shared>> -> memref<10240xf32, #tpu.memory_space<vmem_shared>>
      tpu.wait_indirect_dma semaphore(%arg18 : memref<!tpu.dma_semaphore, #tpu.memory_space<semaphore_mem>>) src(%arg12 : memref<80xf32, #tpu.memory_space<vmem>>) dst(%dma_wait3A_115 : memref<10240xf32, #tpu.memory_space<vmem_shared>>)
    }
    %scan3A_39 = arith.constant 25 : i32
    %dma_wait3A_40 = arith.constant 0 : i32
    %dma_wait3A_41 = tpu.memref_slice %arg2[%add3A_29, %dma_wait3A_40] : memref<320000x16xf32, #tpu.memory_space<hbm>> -> memref<2000x16xf32, #tpu.memory_space<hbm>>
    %dma_wait3A_42 = arith.constant 0 : i32
    %dma_wait3A_43 = tpu.memref_slice %arg2[%add3A_29, %dma_wait3A_42] : memref<320000x16xf32, #tpu.memory_space<hbm>> -> memref<2000x16xf32, #tpu.memory_space<hbm>>
    tpu.wait_dma2 semaphore(%arg15 : memref<!tpu.dma_semaphore, #tpu.memory_space<semaphore_mem>>) src(%dma_wait3A_43 : memref<2000x16xf32, #tpu.memory_space<hbm>>) dst(%arg10 : memref<2000x16xf32, #tpu.memory_space<vmem>>)
    %add3A_44 = arith.constant 6000 : i32
    %add3A_45 = arith.addi %mul3A_2, %add3A_44 : i32
    %dma_start3A_46 = arith.constant 0 : i32
    %dma_start3A_47 = tpu.memref_slice %arg2[%add3A_45, %dma_start3A_46] : memref<320000x16xf32, #tpu.memory_space<hbm>> -> memref<2000x16xf32, #tpu.memory_space<hbm>>
    %dma_start3A_48 = arith.constant 0 : i32
    %dma_start3A_49 = tpu.memref_slice %arg2[%add3A_45, %dma_start3A_48] : memref<320000x16xf32, #tpu.memory_space<hbm>> -> memref<2000x16xf32, #tpu.memory_space<hbm>>
    tpu.enqueue_dma source(%dma_start3A_49 : memref<2000x16xf32, #tpu.memory_space<hbm>>) target(%arg11 : memref<2000x16xf32, #tpu.memory_space<vmem>>) target_semaphore(%arg16 : memref<!tpu.dma_semaphore, #tpu.memory_space<semaphore_mem>>)
    %scan3A_50 = arith.constant 0 : i32
    %scan3A_51 = arith.constant 0 : i32
    %scan3A_52 = arith.constant 25 : i32
    %scan3A_53 = arith.addi %scan3A_51, %scan3A_52 : i32
    %scan3A_54 = arith.constant 1 : i32
    scf.for %scan3A_89 = %scan3A_51 to %scan3A_53 step %scan3A_54  : i32 {
      %add3A_90 = arith.constant 50 : i32
      %add3A_91 = arith.addi %add3A_90, %scan3A_89 : i32
      %mul3A_92 = arith.constant 80 : i32
      %mul3A_93 = arith.muli %scan3A_89, %mul3A_92 : i32
      %mul3A_94 = arith.constant 80 : i32
      %mul3A_95 = arith.muli %add3A_91, %mul3A_94 : i32
      %dma_start3A_96 = arith.constant 0 : i32
      %dma_start3A_97 = tpu.memref_slice %arg10[%mul3A_93, %dma_start3A_96] : memref<2000x16xf32, #tpu.memory_space<vmem>> -> memref<80x16xf32, #tpu.memory_space<vmem>>
      %dma_start3A_98 = tpu.memref_slice %arg9[%mul3A_95] : memref<10000xi32, #tpu.memory_space<vmem>> -> memref<80xi32, #tpu.memory_space<vmem>>
      %dma_start3A_99 = arith.constant 0 : i32
      %dma_start3A_100 = arith.constant 0 : i32
      %dma_start3A_101 = tpu.memref_slice %arg13[%dma_start3A_99, %dma_start3A_100] : memref<10240x16xf32, #tpu.memory_space<vmem_shared>> -> memref<10240x16xf32, #tpu.memory_space<vmem_shared>>
      tpu.enqueue_indirect_dma source(%dma_start3A_97 : memref<80x16xf32, #tpu.memory_space<vmem>>) target(%dma_start3A_101 : memref<10240x16xf32, #tpu.memory_space<vmem_shared>>) offsets(%dma_start3A_98 : memref<80xi32, #tpu.memory_space<vmem>>) semaphore(%arg17 : memref<!tpu.dma_semaphore, #tpu.memory_space<semaphore_mem>>) {add = true}
      %mul3A_102 = arith.constant 80 : i32
      %mul3A_103 = arith.muli %add3A_91, %mul3A_102 : i32
      %dma_start3A_104 = tpu.memref_slice %arg9[%mul3A_103] : memref<10000xi32, #tpu.memory_space<vmem>> -> memref<80xi32, #tpu.memory_space<vmem>>
      %dma_start3A_105 = arith.constant 0 : i32
      %dma_start3A_106 = tpu.memref_slice %arg14[%dma_start3A_105] : memref<10240xf32, #tpu.memory_space<vmem_shared>> -> memref<10240xf32, #tpu.memory_space<vmem_shared>>
      tpu.enqueue_indirect_dma source(%arg12 : memref<80xf32, #tpu.memory_space<vmem>>) target(%dma_start3A_106 : memref<10240xf32, #tpu.memory_space<vmem_shared>>) offsets(%dma_start3A_104 : memref<80xi32, #tpu.memory_space<vmem>>) semaphore(%arg18 : memref<!tpu.dma_semaphore, #tpu.memory_space<semaphore_mem>>) {add = true}
      %dma_wait3A_107 = arith.constant 0 : i32
      %dma_wait3A_108 = tpu.memref_slice %arg10[%mul3A_93, %dma_wait3A_107] : memref<2000x16xf32, #tpu.memory_space<vmem>> -> memref<80x16xf32, #tpu.memory_space<vmem>>
      %dma_wait3A_109 = tpu.memref_slice %arg9[%mul3A_95] : memref<10000xi32, #tpu.memory_space<vmem>> -> memref<80xi32, #tpu.memory_space<vmem>>
      %dma_wait3A_110 = arith.constant 0 : i32
      %dma_wait3A_111 = arith.constant 0 : i32
      %dma_wait3A_112 = tpu.memref_slice %arg13[%dma_wait3A_110, %dma_wait3A_111] : memref<10240x16xf32, #tpu.memory_space<vmem_shared>> -> memref<10240x16xf32, #tpu.memory_space<vmem_shared>>
      tpu.wait_indirect_dma semaphore(%arg17 : memref<!tpu.dma_semaphore, #tpu.memory_space<semaphore_mem>>) src(%dma_wait3A_108 : memref<80x16xf32, #tpu.memory_space<vmem>>) dst(%dma_wait3A_112 : memref<10240x16xf32, #tpu.memory_space<vmem_shared>>)
      %dma_wait3A_113 = tpu.memref_slice %arg9[%mul3A_103] : memref<10000xi32, #tpu.memory_space<vmem>> -> memref<80xi32, #tpu.memory_space<vmem>>
      %dma_wait3A_114 = arith.constant 0 : i32
      %dma_wait3A_115 = tpu.memref_slice %arg14[%dma_wait3A_114] : memref<10240xf32, #tpu.memory_space<vmem_shared>> -> memref<10240xf32, #tpu.memory_space<vmem_shared>>
      tpu.wait_indirect_dma semaphore(%arg18 : memref<!tpu.dma_semaphore, #tpu.memory_space<semaphore_mem>>) src(%arg12 : memref<80xf32, #tpu.memory_space<vmem>>) dst(%dma_wait3A_115 : memref<10240xf32, #tpu.memory_space<vmem_shared>>)
    }
    %scan3A_55 = arith.constant 25 : i32
    %dma_wait3A_56 = arith.constant 0 : i32
    %dma_wait3A_57 = tpu.memref_slice %arg2[%add3A_45, %dma_wait3A_56] : memref<320000x16xf32, #tpu.memory_space<hbm>> -> memref<2000x16xf32, #tpu.memory_space<hbm>>
    %dma_wait3A_58 = arith.constant 0 : i32
    %dma_wait3A_59 = tpu.memref_slice %arg2[%add3A_45, %dma_wait3A_58] : memref<320000x16xf32, #tpu.memory_space<hbm>> -> memref<2000x16xf32, #tpu.memory_space<hbm>>
    tpu.wait_dma2 semaphore(%arg16 : memref<!tpu.dma_semaphore, #tpu.memory_space<semaphore_mem>>) src(%dma_wait3A_59 : memref<2000x16xf32, #tpu.memory_space<hbm>>) dst(%arg11 : memref<2000x16xf32, #tpu.memory_space<vmem>>)
    %add3A_60 = arith.constant 8000 : i32
    %add3A_61 = arith.addi %mul3A_2, %add3A_60 : i32
    %dma_start3A_62 = arith.constant 0 : i32
    %dma_start3A_63 = tpu.memref_slice %arg2[%add3A_61, %dma_start3A_62] : memref<320000x16xf32, #tpu.memory_space<hbm>> -> memref<2000x16xf32, #tpu.memory_space<hbm>>
    %dma_start3A_64 = arith.constant 0 : i32
    %dma_start3A_65 = tpu.memref_slice %arg2[%add3A_61, %dma_start3A_64] : memref<320000x16xf32, #tpu.memory_space<hbm>> -> memref<2000x16xf32, #tpu.memory_space<hbm>>
    tpu.enqueue_dma source(%dma_start3A_65 : memref<2000x16xf32, #tpu.memory_space<hbm>>) target(%arg10 : memref<2000x16xf32, #tpu.memory_space<vmem>>) target_semaphore(%arg15 : memref<!tpu.dma_semaphore, #tpu.memory_space<semaphore_mem>>)
    %scan3A_66 = arith.constant 0 : i32
    %scan3A_67 = arith.constant 0 : i32
    %scan3A_68 = arith.constant 25 : i32
    %scan3A_69 = arith.addi %scan3A_67, %scan3A_68 : i32
    %scan3A_70 = arith.constant 1 : i32
    scf.for %scan3A_89 = %scan3A_67 to %scan3A_69 step %scan3A_70  : i32 {
      %add3A_90 = arith.constant 75 : i32
      %add3A_91 = arith.addi %add3A_90, %scan3A_89 : i32
      %mul3A_92 = arith.constant 80 : i32
      %mul3A_93 = arith.muli %scan3A_89, %mul3A_92 : i32
      %mul3A_94 = arith.constant 80 : i32
      %mul3A_95 = arith.muli %add3A_91, %mul3A_94 : i32
      %dma_start3A_96 = arith.constant 0 : i32
      %dma_start3A_97 = tpu.memref_slice %arg11[%mul3A_93, %dma_start3A_96] : memref<2000x16xf32, #tpu.memory_space<vmem>> -> memref<80x16xf32, #tpu.memory_space<vmem>>
      %dma_start3A_98 = tpu.memref_slice %arg9[%mul3A_95] : memref<10000xi32, #tpu.memory_space<vmem>> -> memref<80xi32, #tpu.memory_space<vmem>>
      %dma_start3A_99 = arith.constant 0 : i32
      %dma_start3A_100 = arith.constant 0 : i32
      %dma_start3A_101 = tpu.memref_slice %arg13[%dma_start3A_99, %dma_start3A_100] : memref<10240x16xf32, #tpu.memory_space<vmem_shared>> -> memref<10240x16xf32, #tpu.memory_space<vmem_shared>>
      tpu.enqueue_indirect_dma source(%dma_start3A_97 : memref<80x16xf32, #tpu.memory_space<vmem>>) target(%dma_start3A_101 : memref<10240x16xf32, #tpu.memory_space<vmem_shared>>) offsets(%dma_start3A_98 : memref<80xi32, #tpu.memory_space<vmem>>) semaphore(%arg17 : memref<!tpu.dma_semaphore, #tpu.memory_space<semaphore_mem>>) {add = true}
      %mul3A_102 = arith.constant 80 : i32
      %mul3A_103 = arith.muli %add3A_91, %mul3A_102 : i32
      %dma_start3A_104 = tpu.memref_slice %arg9[%mul3A_103] : memref<10000xi32, #tpu.memory_space<vmem>> -> memref<80xi32, #tpu.memory_space<vmem>>
      %dma_start3A_105 = arith.constant 0 : i32
      %dma_start3A_106 = tpu.memref_slice %arg14[%dma_start3A_105] : memref<10240xf32, #tpu.memory_space<vmem_shared>> -> memref<10240xf32, #tpu.memory_space<vmem_shared>>
      tpu.enqueue_indirect_dma source(%arg12 : memref<80xf32, #tpu.memory_space<vmem>>) target(%dma_start3A_106 : memref<10240xf32, #tpu.memory_space<vmem_shared>>) offsets(%dma_start3A_104 : memref<80xi32, #tpu.memory_space<vmem>>) semaphore(%arg18 : memref<!tpu.dma_semaphore, #tpu.memory_space<semaphore_mem>>) {add = true}
      %dma_wait3A_107 = arith.constant 0 : i32
      %dma_wait3A_108 = tpu.memref_slice %arg11[%mul3A_93, %dma_wait3A_107] : memref<2000x16xf32, #tpu.memory_space<vmem>> -> memref<80x16xf32, #tpu.memory_space<vmem>>
      %dma_wait3A_109 = tpu.memref_slice %arg9[%mul3A_95] : memref<10000xi32, #tpu.memory_space<vmem>> -> memref<80xi32, #tpu.memory_space<vmem>>
      %dma_wait3A_110 = arith.constant 0 : i32
      %dma_wait3A_111 = arith.constant 0 : i32
      %dma_wait3A_112 = tpu.memref_slice %arg13[%dma_wait3A_110, %dma_wait3A_111] : memref<10240x16xf32, #tpu.memory_space<vmem_shared>> -> memref<10240x16xf32, #tpu.memory_space<vmem_shared>>
      tpu.wait_indirect_dma semaphore(%arg17 : memref<!tpu.dma_semaphore, #tpu.memory_space<semaphore_mem>>) src(%dma_wait3A_108 : memref<80x16xf32, #tpu.memory_space<vmem>>) dst(%dma_wait3A_112 : memref<10240x16xf32, #tpu.memory_space<vmem_shared>>)
      %dma_wait3A_113 = tpu.memref_slice %arg9[%mul3A_103] : memref<10000xi32, #tpu.memory_space<vmem>> -> memref<80xi32, #tpu.memory_space<vmem>>
      %dma_wait3A_114 = arith.constant 0 : i32
      %dma_wait3A_115 = tpu.memref_slice %arg14[%dma_wait3A_114] : memref<10240xf32, #tpu.memory_space<vmem_shared>> -> memref<10240xf32, #tpu.memory_space<vmem_shared>>
      tpu.wait_indirect_dma semaphore(%arg18 : memref<!tpu.dma_semaphore, #tpu.memory_space<semaphore_mem>>) src(%arg12 : memref<80xf32, #tpu.memory_space<vmem>>) dst(%dma_wait3A_115 : memref<10240xf32, #tpu.memory_space<vmem_shared>>)
    }
    %scan3A_71 = arith.constant 25 : i32
    %dma_wait3A_72 = arith.constant 0 : i32
    %dma_wait3A_73 = tpu.memref_slice %arg2[%add3A_61, %dma_wait3A_72] : memref<320000x16xf32, #tpu.memory_space<hbm>> -> memref<2000x16xf32, #tpu.memory_space<hbm>>
    %dma_wait3A_74 = arith.constant 0 : i32
    %dma_wait3A_75 = tpu.memref_slice %arg2[%add3A_61, %dma_wait3A_74] : memref<320000x16xf32, #tpu.memory_space<hbm>> -> memref<2000x16xf32, #tpu.memory_space<hbm>>
    tpu.wait_dma2 semaphore(%arg15 : memref<!tpu.dma_semaphore, #tpu.memory_space<semaphore_mem>>) src(%dma_wait3A_75 : memref<2000x16xf32, #tpu.memory_space<hbm>>) dst(%arg10 : memref<2000x16xf32, #tpu.memory_space<vmem>>)
    %scan3A_76 = arith.constant 0 : i32
    %scan3A_77 = arith.constant 0 : i32
    %scan3A_78 = arith.constant 25 : i32
    %scan3A_79 = arith.addi %scan3A_77, %scan3A_78 : i32
    %scan3A_80 = arith.constant 1 : i32
    scf.for %scan3A_89 = %scan3A_77 to %scan3A_79 step %scan3A_80  : i32 {
      %add3A_90 = arith.constant 100 : i32
      %add3A_91 = arith.addi %add3A_90, %scan3A_89 : i32
      %mul3A_92 = arith.constant 80 : i32
      %mul3A_93 = arith.muli %scan3A_89, %mul3A_92 : i32
      %mul3A_94 = arith.constant 80 : i32
      %mul3A_95 = arith.muli %add3A_91, %mul3A_94 : i32
      %dma_start3A_96 = arith.constant 0 : i32
      %dma_start3A_97 = tpu.memref_slice %arg10[%mul3A_93, %dma_start3A_96] : memref<2000x16xf32, #tpu.memory_space<vmem>> -> memref<80x16xf32, #tpu.memory_space<vmem>>
      %dma_start3A_98 = tpu.memref_slice %arg9[%mul3A_95] : memref<10000xi32, #tpu.memory_space<vmem>> -> memref<80xi32, #tpu.memory_space<vmem>>
      %dma_start3A_99 = arith.constant 0 : i32
      %dma_start3A_100 = arith.constant 0 : i32
      %dma_start3A_101 = tpu.memref_slice %arg13[%dma_start3A_99, %dma_start3A_100] : memref<10240x16xf32, #tpu.memory_space<vmem_shared>> -> memref<10240x16xf32, #tpu.memory_space<vmem_shared>>
      tpu.enqueue_indirect_dma source(%dma_start3A_97 : memref<80x16xf32, #tpu.memory_space<vmem>>) target(%dma_start3A_101 : memref<10240x16xf32, #tpu.memory_space<vmem_shared>>) offsets(%dma_start3A_98 : memref<80xi32, #tpu.memory_space<vmem>>) semaphore(%arg17 : memref<!tpu.dma_semaphore, #tpu.memory_space<semaphore_mem>>) {add = true}
      %mul3A_102 = arith.constant 80 : i32
      %mul3A_103 = arith.muli %add3A_91, %mul3A_102 : i32
      %dma_start3A_104 = tpu.memref_slice %arg9[%mul3A_103] : memref<10000xi32, #tpu.memory_space<vmem>> -> memref<80xi32, #tpu.memory_space<vmem>>
      %dma_start3A_105 = arith.constant 0 : i32
      %dma_start3A_106 = tpu.memref_slice %arg14[%dma_start3A_105] : memref<10240xf32, #tpu.memory_space<vmem_shared>> -> memref<10240xf32, #tpu.memory_space<vmem_shared>>
      tpu.enqueue_indirect_dma source(%arg12 : memref<80xf32, #tpu.memory_space<vmem>>) target(%dma_start3A_106 : memref<10240xf32, #tpu.memory_space<vmem_shared>>) offsets(%dma_start3A_104 : memref<80xi32, #tpu.memory_space<vmem>>) semaphore(%arg18 : memref<!tpu.dma_semaphore, #tpu.memory_space<semaphore_mem>>) {add = true}
      %dma_wait3A_107 = arith.constant 0 : i32
      %dma_wait3A_108 = tpu.memref_slice %arg10[%mul3A_93, %dma_wait3A_107] : memref<2000x16xf32, #tpu.memory_space<vmem>> -> memref<80x16xf32, #tpu.memory_space<vmem>>
      %dma_wait3A_109 = tpu.memref_slice %arg9[%mul3A_95] : memref<10000xi32, #tpu.memory_space<vmem>> -> memref<80xi32, #tpu.memory_space<vmem>>
      %dma_wait3A_110 = arith.constant 0 : i32
      %dma_wait3A_111 = arith.constant 0 : i32
      %dma_wait3A_112 = tpu.memref_slice %arg13[%dma_wait3A_110, %dma_wait3A_111] : memref<10240x16xf32, #tpu.memory_space<vmem_shared>> -> memref<10240x16xf32, #tpu.memory_space<vmem_shared>>
      tpu.wait_indirect_dma semaphore(%arg17 : memref<!tpu.dma_semaphore, #tpu.memory_space<semaphore_mem>>) src(%dma_wait3A_108 : memref<80x16xf32, #tpu.memory_space<vmem>>) dst(%dma_wait3A_112 : memref<10240x16xf32, #tpu.memory_space<vmem_shared>>)
      %dma_wait3A_113 = tpu.memref_slice %arg9[%mul3A_103] : memref<10000xi32, #tpu.memory_space<vmem>> -> memref<80xi32, #tpu.memory_space<vmem>>
      %dma_wait3A_114 = arith.constant 0 : i32
      %dma_wait3A_115 = tpu.memref_slice %arg14[%dma_wait3A_114] : memref<10240xf32, #tpu.memory_space<vmem_shared>> -> memref<10240xf32, #tpu.memory_space<vmem_shared>>
      tpu.wait_indirect_dma semaphore(%arg18 : memref<!tpu.dma_semaphore, #tpu.memory_space<semaphore_mem>>) src(%arg12 : memref<80xf32, #tpu.memory_space<vmem>>) dst(%dma_wait3A_115 : memref<10240xf32, #tpu.memory_space<vmem_shared>>)
    }
    %scan3A_81 = arith.constant 25 : i32
    %barrier3A_82 = arith.constant 0 : index
    tpu.barrier barrier_id(%barrier3A_82)
    %mul3A_83 = arith.constant 640 : i32
    %mul3A_84 = arith.muli %arg1, %mul3A_83 : i32
    %mul3A_85 = arith.constant 640 : i32
    %mul3A_86 = arith.muli %arg1, %mul3A_85 : i32
    "tpu.region"() ({
      %run_scoped3A = tpu.sem_alloc : memref<!tpu.dma_semaphore, #tpu.memory_space<semaphore_mem>>
      %dma_start3A_89 = arith.constant 0 : i32
      %dma_start3A_90 = tpu.memref_slice %arg7[%arg0, %mul3A_86, %dma_start3A_89] : memref<2x10240x16xf32, #tpu.memory_space<hbm>> -> memref<1x640x16xf32, #tpu.memory_space<hbm>>
      %dma_start3A_91 = tpu.memref_squeeze %dma_start3A_90 : memref<1x640x16xf32, #tpu.memory_space<hbm>> -> memref<640x16xf32, #tpu.memory_space<hbm>>
      %dma_start3A_92 = arith.constant 0 : i32
      %dma_start3A_93 = tpu.memref_slice %arg13[%mul3A_84, %dma_start3A_92] : memref<10240x16xf32, #tpu.memory_space<vmem_shared>> -> memref<640x16xf32, #tpu.memory_space<vmem_shared>>
      tpu.enqueue_dma source(%dma_start3A_93 : memref<640x16xf32, #tpu.memory_space<vmem_shared>>) target(%dma_start3A_91 : memref<640x16xf32, #tpu.memory_space<hbm>>) target_semaphore(%run_scoped3A : memref<!tpu.dma_semaphore, #tpu.memory_space<semaphore_mem>>)
      %dma_wait3A_94 = arith.constant 0 : i32
      %dma_wait3A_95 = tpu.memref_slice %arg7[%arg0, %mul3A_86, %dma_wait3A_94] : memref<2x10240x16xf32, #tpu.memory_space<hbm>> -> memref<1x640x16xf32, #tpu.memory_space<hbm>>
      %dma_wait3A_96 = tpu.memref_squeeze %dma_wait3A_95 : memref<1x640x16xf32, #tpu.memory_space<hbm>> -> memref<640x16xf32, #tpu.memory_space<hbm>>
      %dma_wait3A_97 = arith.constant 0 : i32
      %dma_wait3A_98 = tpu.memref_slice %arg13[%mul3A_84, %dma_wait3A_97] : memref<10240x16xf32, #tpu.memory_space<vmem_shared>> -> memref<640x16xf32, #tpu.memory_space<vmem_shared>>
      tpu.wait_dma2 semaphore(%run_scoped3A : memref<!tpu.dma_semaphore, #tpu.memory_space<semaphore_mem>>) src(%dma_wait3A_98 : memref<640x16xf32, #tpu.memory_space<vmem_shared>>) dst(%dma_wait3A_96 : memref<640x16xf32, #tpu.memory_space<hbm>>)
      tpu.yield
    }) : () -> ()
    %mul3A_87 = arith.constant 640 : i32
    %mul3A_88 = arith.muli %arg1, %mul3A_87 : i32
    "tpu.region"() ({
      %run_scoped3A = tpu.sem_alloc : memref<!tpu.dma_semaphore, #tpu.memory_space<semaphore_mem>>
      %dma_start3A_89 = arith.constant 0 : i32
      %dma_start3A_90 = tpu.memref_slice %arg8[%arg0, %arg1, %dma_start3A_89] : memref<2x16x640xf32, #tpu.memory_space<hbm>> -> memref<1x1x640xf32, #tpu.memory_space<hbm>>
      %dma_start3A_91 = tpu.memref_squeeze %dma_start3A_90 : memref<1x1x640xf32, #tpu.memory_space<hbm>> -> memref<640xf32, #tpu.memory_space<hbm>>
      %dma_start3A_92 = tpu.memref_slice %arg14[%mul3A_88] : memref<10240xf32, #tpu.memory_space<vmem_shared>> -> memref<640xf32, #tpu.memory_space<vmem_shared>>
      tpu.enqueue_dma source(%dma_start3A_92 : memref<640xf32, #tpu.memory_space<vmem_shared>>) target(%dma_start3A_91 : memref<640xf32, #tpu.memory_space<hbm>>) target_semaphore(%run_scoped3A : memref<!tpu.dma_semaphore, #tpu.memory_space<semaphore_mem>>)
      %dma_wait3A_93 = arith.constant 0 : i32
      %dma_wait3A_94 = tpu.memref_slice %arg8[%arg0, %arg1, %dma_wait3A_93] : memref<2x16x640xf32, #tpu.memory_space<hbm>> -> memref<1x1x640xf32, #tpu.memory_space<hbm>>
      %dma_wait3A_95 = tpu.memref_squeeze %dma_wait3A_94 : memref<1x1x640xf32, #tpu.memory_space<hbm>> -> memref<640xf32, #tpu.memory_space<hbm>>
      %dma_wait3A_96 = tpu.memref_slice %arg14[%mul3A_88] : memref<10240xf32, #tpu.memory_space<vmem_shared>> -> memref<640xf32, #tpu.memory_space<vmem_shared>>
      tpu.wait_dma2 semaphore(%run_scoped3A : memref<!tpu.dma_semaphore, #tpu.memory_space<semaphore_mem>>) src(%dma_wait3A_96 : memref<640xf32, #tpu.memory_space<vmem_shared>>) dst(%dma_wait3A_95 : memref<640xf32, #tpu.memory_space<hbm>>)
      tpu.yield
    }) : () -> ()
    return
  }
}

module attributes {stable_mosaic.version = 14 : i64} {
  func.func @_tc_mlp_body(%arg0: i32, %arg1: memref<1000x128xf32, #tpu.memory_space<vmem>>, %arg2: memref<2x1000x16xf32, #tpu.memory_space<vmem>>, %arg3: memref<2x10x1000xf32, #tpu.memory_space<vmem>>, %arg4: memref<1000x16xf32, #tpu.memory_space<vmem>>, %arg5: memref<16x16xf32, #tpu.memory_space<vmem>>, %arg6: memref<128x128xf32, #tpu.memory_space<vmem>>, %arg7: memref<16x128xf32, #tpu.memory_space<vmem>>, %arg8: memref<16x128xf32, #tpu.memory_space<vmem>>, %arg9: memref<1x128xf32, #tpu.memory_space<vmem>>, %arg10: memref<128x128xf32, #tpu.memory_space<vmem>>, %arg11: memref<1x128xf32, #tpu.memory_space<vmem>>, %arg12: memref<1000x128xf32, #tpu.memory_space<vmem>>) attributes {dimension_semantics = [#tpu.dimension_semantics<arbitrary>], iteration_bounds = array<i64: 10>, scalar_prefetch = 0 : i64, scratch_operands = 0 : i64, tpu.core_type = #tpu.core_type<tc>, window_params = [{transform_indices = @transform_0, window_bounds = array<i64: 1000, 128>}, {transform_indices = @transform_1, window_bounds = array<i64: 2, 1000, 16>}, {pipeline_mode = #tpu.pipeline_mode<synchronous>, transform_indices = @transform_2, window_bounds = array<i64: 2, 10, 1000>}, {transform_indices = @transform_3, window_bounds = array<i64: 1000, 16>}, {pipeline_mode = #tpu.pipeline_mode<synchronous>, transform_indices = @transform_4, window_bounds = array<i64: 16, 16>}, {pipeline_mode = #tpu.pipeline_mode<synchronous>, transform_indices = @transform_5, window_bounds = array<i64: 128, 128>}, {pipeline_mode = #tpu.pipeline_mode<synchronous>, transform_indices = @transform_6, window_bounds = array<i64: 16, 128>}, {pipeline_mode = #tpu.pipeline_mode<synchronous>, transform_indices = @transform_7, window_bounds = array<i64: 16, 128>}, {pipeline_mode = #tpu.pipeline_mode<synchronous>, transform_indices = @transform_8, window_bounds = array<i64: 1, 128>}, {pipeline_mode = #tpu.pipeline_mode<synchronous>, transform_indices = @transform_9, window_bounds = array<i64: 128, 128>}, {pipeline_mode = #tpu.pipeline_mode<synchronous>, transform_indices = @transform_10, window_bounds = array<i64: 1, 128>}, {transform_indices = @transform_11, window_bounds = array<i64: 1000, 128>}]} {
    %get3A = arith.constant 0 : index
    %get3A_0 = arith.constant 0 : index
    %get3A_1 = arith.constant 0 : index
    %get3A_2 = vector.load %arg2[%get3A, %get3A_0, %get3A_1] : memref<2x1000x16xf32, #tpu.memory_space<vmem>>, vector<1x1000x16xf32>
    %get3A_3 = vector.shape_cast %get3A_2 : vector<1x1000x16xf32> to vector<1000x16xf32>
    %get3A_4 = arith.constant 1 : index
    %get3A_5 = arith.constant 0 : index
    %get3A_6 = arith.constant 0 : index
    %get3A_7 = vector.load %arg2[%get3A_4, %get3A_5, %get3A_6] : memref<2x1000x16xf32, #tpu.memory_space<vmem>>, vector<1x1000x16xf32>
    %get3A_8 = vector.shape_cast %get3A_7 : vector<1x1000x16xf32> to vector<1000x16xf32>
    %add3A = arith.addf %get3A_3, %get3A_8 : vector<1000x16xf32>
    %get3A_9 = arith.constant 0 : index
    %get3A_10 = arith.index_cast %arg0 : i32 to index
    %get3A_11 = arith.constant 0 : index
    %get3A_12 = vector.load %arg3[%get3A_9, %get3A_10, %get3A_11] : memref<2x10x1000xf32, #tpu.memory_space<vmem>>, vector<1x1x1000xf32>
    %get3A_13 = vector.shape_cast %get3A_12 : vector<1x1x1000xf32> to vector<1000xf32>
    %get3A_14 = arith.constant 1 : index
    %get3A_15 = arith.index_cast %arg0 : i32 to index
    %get3A_16 = arith.constant 0 : index
    %get3A_17 = vector.load %arg3[%get3A_14, %get3A_15, %get3A_16] : memref<2x10x1000xf32, #tpu.memory_space<vmem>>, vector<1x1x1000xf32>
    %get3A_18 = vector.shape_cast %get3A_17 : vector<1x1x1000xf32> to vector<1000xf32>
    %add3A_19 = arith.addf %get3A_13, %get3A_18 : vector<1000xf32>
    %reshape3A = vector.shape_cast %add3A_19 : vector<1000xf32> to vector<1000x1xf32>
    %max3A = arith.constant 1.000000e+00 : f32
    %max3A_20 = vector.broadcast %max3A : f32 to vector<1000x1xf32>
    %max3A_21 = arith.maximumf %reshape3A, %max3A_20 : vector<1000x1xf32>
    %div3A = vector.broadcast %max3A_21 : vector<1000x1xf32> to vector<1000x16xf32>
    %div3A_22 = arith.divf %add3A, %div3A : vector<1000x16xf32>
    %get3A_23 = arith.constant 0 : index
    %get3A_24 = arith.constant 0 : index
    %get3A_25 = vector.load %arg5[%get3A_23, %get3A_24] : memref<16x16xf32, #tpu.memory_space<vmem>>, vector<16x16xf32>
    %get3A_26 = arith.constant 0 : index
    %get3A_27 = arith.constant 0 : index
    %get3A_28 = vector.load %arg8[%get3A_26, %get3A_27] : memref<16x128xf32, #tpu.memory_space<vmem>>, vector<16x128xf32>
    %dot_general3A = arith.constant dense<0.000000e+00> : vector<16x128xf32>
    %dot_general3A_29 = tpu.matmul %get3A_25, %get3A_28, %dot_general3A {dimension_numbers = #tpu.dot_dimension_numbers<[1], [0], [0], [1], [0, 0, 1, 1], [], []>, transpose_lhs_hint = false} : vector<16x16xf32>, vector<16x128xf32>, vector<16x128xf32> -> vector<16x128xf32>
    %get3A_30 = arith.constant 0 : index
    %get3A_31 = arith.constant 0 : index
    %get3A_32 = vector.load %arg1[%get3A_30, %get3A_31] : memref<1000x128xf32, #tpu.memory_space<vmem>>, vector<1000x128xf32>
    %get3A_33 = arith.constant 0 : index
    %get3A_34 = arith.constant 0 : index
    %get3A_35 = vector.load %arg6[%get3A_33, %get3A_34] : memref<128x128xf32, #tpu.memory_space<vmem>>, vector<128x128xf32>
    %dot_general3A_36 = arith.constant dense<0.000000e+00> : vector<1000x128xf32>
    %dot_general3A_37 = tpu.matmul %get3A_32, %get3A_35, %dot_general3A_36 {dimension_numbers = #tpu.dot_dimension_numbers<[1], [0], [0], [1], [0, 0, 1, 1], [], []>, transpose_lhs_hint = false} : vector<1000x128xf32>, vector<128x128xf32>, vector<1000x128xf32> -> vector<1000x128xf32>
    %get3A_38 = arith.constant 0 : index
    %get3A_39 = arith.constant 0 : index
    %get3A_40 = vector.load %arg7[%get3A_38, %get3A_39] : memref<16x128xf32, #tpu.memory_space<vmem>>, vector<16x128xf32>
    %dot_general3A_41 = arith.constant dense<0.000000e+00> : vector<1000x128xf32>
    %dot_general3A_42 = tpu.matmul %div3A_22, %get3A_40, %dot_general3A_41 {dimension_numbers = #tpu.dot_dimension_numbers<[1], [0], [0], [1], [0, 0, 1, 1], [], []>, transpose_lhs_hint = false} : vector<1000x16xf32>, vector<16x128xf32>, vector<1000x128xf32> -> vector<1000x128xf32>
    %add3A_43 = arith.addf %dot_general3A_37, %dot_general3A_42 : vector<1000x128xf32>
    %get3A_44 = arith.constant 0 : index
    %get3A_45 = arith.constant 0 : index
    %get3A_46 = vector.load %arg4[%get3A_44, %get3A_45] : memref<1000x16xf32, #tpu.memory_space<vmem>>, vector<1000x16xf32>
    %dot_general3A_47 = arith.constant dense<0.000000e+00> : vector<1000x128xf32>
    %dot_general3A_48 = tpu.matmul %get3A_46, %dot_general3A_29, %dot_general3A_47 {dimension_numbers = #tpu.dot_dimension_numbers<[1], [0], [0], [1], [0, 0, 1, 1], [], []>, transpose_lhs_hint = false} : vector<1000x16xf32>, vector<16x128xf32>, vector<1000x128xf32> -> vector<1000x128xf32>
    %add3A_49 = arith.addf %add3A_43, %dot_general3A_48 : vector<1000x128xf32>
    %get3A_50 = arith.constant 0 : index
    %get3A_51 = arith.constant 0 : index
    %get3A_52 = vector.load %arg9[%get3A_50, %get3A_51] : memref<1x128xf32, #tpu.memory_space<vmem>>, vector<1x128xf32>
    %add3A_53 = vector.broadcast %get3A_52 : vector<1x128xf32> to vector<1000x128xf32>
    %add3A_54 = arith.addf %add3A_49, %add3A_53 : vector<1000x128xf32>
    %max3A_55 = arith.constant 0.000000e+00 : f32
    %max3A_56 = vector.broadcast %max3A_55 : f32 to vector<1000x128xf32>
    %max3A_57 = arith.maximumf %add3A_54, %max3A_56 : vector<1000x128xf32>
    %get3A_58 = arith.constant 0 : index
    %get3A_59 = arith.constant 0 : index
    %get3A_60 = vector.load %arg10[%get3A_58, %get3A_59] : memref<128x128xf32, #tpu.memory_space<vmem>>, vector<128x128xf32>
    %dot_general3A_61 = arith.constant dense<0.000000e+00> : vector<1000x128xf32>
    %dot_general3A_62 = tpu.matmul %max3A_57, %get3A_60, %dot_general3A_61 {dimension_numbers = #tpu.dot_dimension_numbers<[1], [0], [0], [1], [0, 0, 1, 1], [], []>, transpose_lhs_hint = false} : vector<1000x128xf32>, vector<128x128xf32>, vector<1000x128xf32> -> vector<1000x128xf32>
    %get3A_63 = arith.constant 0 : index
    %get3A_64 = arith.constant 0 : index
    %get3A_65 = vector.load %arg11[%get3A_63, %get3A_64] : memref<1x128xf32, #tpu.memory_space<vmem>>, vector<1x128xf32>
    %add3A_66 = vector.broadcast %get3A_65 : vector<1x128xf32> to vector<1000x128xf32>
    %add3A_67 = arith.addf %dot_general3A_62, %add3A_66 : vector<1000x128xf32>
    %swap3A = arith.constant 0 : index
    %swap3A_68 = arith.constant 0 : index
    %swap3A_69 = vector.load %arg12[%swap3A, %swap3A_68] : memref<1000x128xf32, #tpu.memory_space<vmem>>, vector<1000x128xf32>
    tpu.vector_store %arg12[%swap3A, %swap3A_68], %add3A_67 {strides = array<i32>} : memref<1000x128xf32, #tpu.memory_space<vmem>>, vector<1000x128xf32>,
    return
  }
  func.func @transform_0(%arg0: i32) -> (i32, i32) {
    %c0_i32 = arith.constant 0 : i32
    %c0_i32_0 = arith.constant 0 : i32
    return %arg0, %c0_i32 : i32, i32
  }
  func.func @transform_1(%arg0: i32) -> (i32, i32, i32) {
    %c0_i32 = arith.constant 0 : i32
    %c0_i32_0 = arith.constant 0 : i32
    %c0_i32_1 = arith.constant 0 : i32
    return %c0_i32, %arg0, %c0_i32_0 : i32, i32, i32
  }
  func.func @transform_2(%arg0: i32) -> (i32, i32, i32) {
    %c0_i32 = arith.constant 0 : i32
    %c0_i32_0 = arith.constant 0 : i32
    %c0_i32_1 = arith.constant 0 : i32
    %c0_i32_2 = arith.constant 0 : i32
    return %c0_i32, %c0_i32_0, %c0_i32_1 : i32, i32, i32
  }
  func.func @transform_3(%arg0: i32) -> (i32, i32) {
    %c0_i32 = arith.constant 0 : i32
    %c0_i32_0 = arith.constant 0 : i32
    return %arg0, %c0_i32 : i32, i32
  }
  func.func @transform_4(%arg0: i32) -> (i32, i32) {
    %c0_i32 = arith.constant 0 : i32
    %c0_i32_0 = arith.constant 0 : i32
    %c0_i32_1 = arith.constant 0 : i32
    return %c0_i32, %c0_i32_0 : i32, i32
  }
  func.func @transform_5(%arg0: i32) -> (i32, i32) {
    %c0_i32 = arith.constant 0 : i32
    %c0_i32_0 = arith.constant 0 : i32
    %c0_i32_1 = arith.constant 0 : i32
    return %c0_i32, %c0_i32_0 : i32, i32
  }
  func.func @transform_6(%arg0: i32) -> (i32, i32) {
    %c0_i32 = arith.constant 0 : i32
    %c0_i32_0 = arith.constant 0 : i32
    %c0_i32_1 = arith.constant 0 : i32
    return %c0_i32, %c0_i32_0 : i32, i32
  }
  func.func @transform_7(%arg0: i32) -> (i32, i32) {
    %c0_i32 = arith.constant 0 : i32
    %c0_i32_0 = arith.constant 0 : i32
    %c0_i32_1 = arith.constant 0 : i32
    return %c0_i32, %c0_i32_0 : i32, i32
  }
  func.func @transform_8(%arg0: i32) -> (i32, i32) {
    %c0_i32 = arith.constant 0 : i32
    %c0_i32_0 = arith.constant 0 : i32
    %c0_i32_1 = arith.constant 0 : i32
    return %c0_i32, %c0_i32_0 : i32, i32
  }
  func.func @transform_9(%arg0: i32) -> (i32, i32) {
    %c0_i32 = arith.constant 0 : i32
    %c0_i32_0 = arith.constant 0 : i32
    %c0_i32_1 = arith.constant 0 : i32
    return %c0_i32, %c0_i32_0 : i32, i32
  }
  func.func @transform_10(%arg0: i32) -> (i32, i32) {
    %c0_i32 = arith.constant 0 : i32
    %c0_i32_0 = arith.constant 0 : i32
    %c0_i32_1 = arith.constant 0 : i32
    return %c0_i32, %c0_i32_0 : i32, i32
  }
  func.func @transform_11(%arg0: i32) -> (i32, i32) {
    %c0_i32 = arith.constant 0 : i32
    %c0_i32_0 = arith.constant 0 : i32
    return %arg0, %c0_i32 : i32, i32
  }
}

</mosaic_0001>

<sc_bundles>
// kernel: kernel.4.cloned.1.call-start
scs
__scs_entry_jumppad:
0x0: {  	(pc) =	sbr.rel $0x88, $3  }
0x1: {  	(tag) =	ssettag $0x0;
	lr =	simm.s32 $0x1  }
0x2: {  	[smem:$0x3F98] =	sst lr;
	_ =	strace $0xD0000000  }
0x3: {  	_ = 	snop  }
0x4: {  	_ = 	snop  }
0x5: {  	_ = 	snop  }
0x6: {  	_ = 	snop  }
0x7: {  	_ = 	snop  }
__scs_overlays_trampoline_lowered:
0x8: {  	[smem:$0x3FA7] =	sst s0  }
0x9: {  	[smem:$0x3FA8] =	sst s1  }
0xa: {  	[smem:$0x3FA9] =	sst s2  }
0xb: {  	[smem:$0x3FAA] =	sst s3  }
0xc: {  	[smem:$0x3FAB] =	sst s4  }
0xd: {  	[smem:$0x3FAC] =	sst s5  }
0xe: {  	[smem:$0x3FAD] =	sst s6  }
0xf: {  	[smem:$0x3FAE] =	sst s7  }
0x10: {  	[smem:$0x3FAF] =	sst s8  }
0x11: {  	[smem:$0x3FB0] =	sst s9;
	s0 =	simm.s32 @!p0 $0x0  }
0x12: {  	s1 =	sld [smem:$0x3F96];
	s0 =	simm.s32 @p0 $0x1  }
0x13: {  	[smem:$0x3FB1] =	sst s0;
	s0 =	simm.s32 @!p1 $0x0  }
0x14: {  	s2 =	sld [smem:$0x3F95];
	s0 =	simm.s32 @p1 $0x1  }
0x15: {  	[smem:$0x3FB2] =	sst s0;
	s0 =	simm.s32 @!p2 $0x0  }
0x16: {  	s3 =	sld [smem:$0x3FDB];
	s0 =	simm.s32 @p2 $0x1  }
0x17: {  	s4 =	simm.s32 $0x1BF5;
	[smem:$0x3FB4] =	sst s0  }
0x18: {  	s0 =	sld [smem:$0x3F97];
	_ =	swait.ge [sflag:s4], $0x0  }
0x19: {  	s7 =	sld [smem:$0x3F98]  }
0x1a: {  	s8 =	sadd.s32 $0xFFFFE003, lr  }
0x1b: {  	s9 =	sadd.s32 $0xFFFFFEF7, lr;
	s5 =	simm.s32 $0xFFFFFFFF;
	p2 =	slt.u32 s8, $0xFFFFF086  }
0x1c: {  	p1 =	slt.u32 s9, $0xF7A;
	s5 =	simm.s32 @!p2 $0x0  }
0x1d: {  	s5 =	simm.s32 @p1 $0x1;
	p0 =	seq.s32 s7, s2  }
0x1e: {  	s7 =	smul.u32 @!p0 $0xF7A, s2;
	p2 =	seq.s32 @!p0 s5, $0x0  }
0x1f: {  	s9 =	smul.u32 $0xF7A, s1;
	s8 =	simm.s32 @!p0 $0x1BF5;
	p2 =	por !p2, p0  }
0x20: {  	[sflag:s8] =	ssyncset.s32 @!p0 $0xFFFFF086;
	s6 =	sadd.s32 @!p0 s3, s7;
	s7 =	simm.s32 @!p0 $0x108  }
0x21: {  	s3 =	sadd.s32 s3, s9;
	s6 =	sadd.s32 @!p0 $0x88, s6;
	s7 =	simm.s32 @p2 $0x1082  }
0x22: {  	[simem:s7], [sflag:s8] =	dma.local @!p0 [hbm:s6], $0xF7A  }
0x23: {  	s9 =	sor.u32 $0xD0000000, s2;
	s6 =	simm.s32 $0x108;
	_ =	swait.ge @!p0 [sflag:s8], $0x0  }
0x24: {  	s3 =	sadd.s32 $0x88, s3;
	s6 =	simm.s32 @!p1 $0x1082;
	[sflag:s4] =	ssyncset.s32 $0xFFFFF086  }
0x25: {  	[simem:s6], [sflag:s4] =	dma.local [hbm:s3], $0xF7A  }
0x26: {  	[smem:$0x3F98] =	sst s1;
	(tag) =	ssettag s2;
	_ =	strace s9  }
0x27: {  	s1 =	sld [smem:$0x3FA8]  }
0x28: {  	s2 =	sld [smem:$0x3FA9]  }
0x29: {  	s4 =	sld [smem:$0x3FAB]  }
0x2a: {  	p0 =	seq.s32 s5, $0x0;
	s5 =	sld [smem:$0x3FAC]  }
0x2b: {  	s6 =	sld [smem:$0x3FAD]  }
0x2c: {  	s7 =	sld [smem:$0x3FAE]  }
0x2d: {  	s3 =	simm.s32 $0x108;
	s8 =	sld [smem:$0x3FAF]  }
0x2e: {  	s3 =	simm.s32 @!p0 $0x1082;
	s9 =	sld [smem:$0x3FB0]  }
0x2f: {  	lr =	sadd.s32 s0, s3;
	s0 =	sld [smem:$0x3FA7]  }
0x30: {  	s3 =	sld [smem:$0x3FAA]  }
0x31: {  	[smem:$0x3FB3] =	sst s10  }
0x32: {  	s10 =	sld [smem:$0x3FB1];
	_ =	sdelay $0x3  }
0x33: {  	p0 =	seq.s32 s10, $0x1;
	s10 =	sld [smem:$0x3FB3];
	_ =	sdelay $0x3  }
0x34: {  	[smem:$0x3FB3] =	sst s10  }
0x35: {  	s10 =	sld [smem:$0x3FB2];
	_ =	sdelay $0x3  }
0x36: {  	p1 =	seq.s32 s10, $0x1;
	s10 =	sld [smem:$0x3FB3];
	_ =	sdelay $0x3  }
0x37: {  	[smem:$0x3FB3] =	sst s10  }
0x38: {  	s10 =	sld [smem:$0x3FB4]  }
0x39: {  	_ = 	snop;
	(pc) =	sbr.ind lr, $3  }
0x3a: {  	_ = 	snop  }
0x3b: {  	_ = 	snop  }
0x3c: {  	p2 =	seq.s32 s10, $0x1;
	s10 =	sld [smem:$0x3FB3]  }
0x3d: {  	_ =	shalt  }
0x3e: {  	_ =	shalt  }
0x3f: {  	_ =	shalt  }
0x40: {  	_ =	shalt  }
0x41: {  	_ =	shalt  }
0x42: {  	_ =	shalt  }
0x43: {  	_ =	shalt  }
0x44: {  	_ =	shalt  }
0x45: {  	_ =	shalt  }
0x46: {  	_ =	shalt  }
0x47: {  	_ =	shalt  }
0x48: {  	_ =	shalt  }
0x49: {  	_ =	shalt  }
0x4a: {  	_ =	shalt  }
0x4b: {  	_ =	shalt  }
0x4c: {  	_ =	shalt  }
0x4d: {  	_ =	shalt  }
0x4e: {  	_ =	shalt  }
0x4f: {  	_ =	shalt  }
0x50: {  	_ =	shalt  }
0x51: {  	_ =	shalt  }
0x52: {  	_ =	shalt  }
0x53: {  	_ =	shalt  }
0x54: {  	_ =	shalt  }
0x55: {  	_ =	shalt  }
0x56: {  	_ =	shalt  }
0x57: {  	_ =	shalt  }
0x58: {  	_ =	shalt  }
0x59: {  	_ =	shalt  }
0x5a: {  	_ =	shalt  }
0x5b: {  	_ =	shalt  }
0x5c: {  	_ =	shalt  }
0x5d: {  	_ =	shalt  }
0x5e: {  	_ =	shalt  }
0x5f: {  	_ =	shalt  }
0x60: {  	_ =	shalt  }
0x61: {  	_ =	shalt  }
0x62: {  	_ =	shalt  }
0x63: {  	_ =	shalt  }
0x64: {  	_ =	shalt  }
0x65: {  	_ =	shalt  }
0x66: {  	_ =	shalt  }
0x67: {  	_ =	shalt  }
0x68: {  	_ =	shalt  }
0x69: {  	_ =	shalt  }
0x6a: {  	_ =	shalt  }
0x6b: {  	_ =	shalt  }
0x6c: {  	_ =	shalt  }
0x6d: {  	_ =	shalt  }
0x6e: {  	_ =	shalt  }
0x6f: {  	_ =	shalt  }
0x70: {  	_ =	shalt  }
0x71: {  	_ =	shalt  }
0x72: {  	_ =	shalt  }
0x73: {  	_ =	shalt  }
0x74: {  	_ =	shalt  }
0x75: {  	_ =	shalt  }
0x76: {  	_ =	shalt  }
0x77: {  	_ =	shalt  }
0x78: {  	_ =	shalt  }
0x79: {  	_ =	shalt  }
0x7a: {  	_ =	shalt  }
0x7b: {  	_ =	shalt  }
0x7c: {  	_ =	shalt  }
0x7d: {  	_ =	shalt  }
0x7e: {  	_ =	shalt  }
0x7f: {  	_ =	shalt  }
0x80: {  	_ =	shalt  }
0x81: {  	_ =	shalt  }
0x82: {  	_ =	shalt  }
0x83: {  	_ =	shalt  }
0x84: {  	_ =	shalt  }
0x85: {  	_ =	shalt  }
0x86: {  	_ =	shalt  }
0x87: {  	_ =	shalt  }
.Lfunc_end0:
.L_simem_size_0:
called_computation_lowered:
.L_overlay_start_0:
0x88: {  	s2 =	sld [smem:$0x3FD9]  }
0x89: {  	s3 =	sld [smem:$0x3FFE];
	_ =	sdelay $0x1  }
0x8a: {  	s1 =	srdreg.scid  }
0x8b: {  	s0 =	sand.u32 $0x1, s1  }
0x8c: {  	s17 =	sshll.u32 s0, $0xA;
	s2 =	sadd.s32 s3, s2  }
0x8d: {  	s2 =	sadd.s32 s2, s17  }
0x8e: {  	[smem:$0x3FBF] =	sst s2  }
0x8f: {  	_ = 	snop  }
0x90: {  	s2 =	sld [smem:$0x3FD0];
	(tm) =	ssettm $0x1  }
0x91: {  	s18 =	sld [smem:$0x3FFB];
	_ =	sdelay $0x3  }
0x92: {  	_ =	strace s18  }
0x93: {  	s3 =	sld [smem:$0x3FFC];
	_ =	sdelay $0x3  }
0x94: {  	_ =	strace s3  }
0x95: {  	s3 =	sld [smem:$0x3FFD];
	_ =	sdelay $0x3  }
0x96: {  	_ =	strace s3  }
0x97: {  	_ =	strace $0x8FFFFFFF  }
0x98: {  	s19 =	sld [smem:$0x3FDB];
	_ =	sdelay $0x1  }
0x99: {  	s4 =	simm.s32 $_scs_section_size  }
0x9a: {  	s5 =	simm.s32 $_size__tile_overlayer_lowered;
	s6 =	simm.s32 $_tile_overlayer_lowered  }
0x9b: {  	s22 =	simm.s32 $0x1BFF;
	s21 =	sshll.u32 s6, $0x1;
	s3 =	sadd.s32 s4, s19  }
0x9c: {  	s7 =	simm.s32 $0x0;
	s20 =	sshll.u32 s5, $0x1;
	s5 =	sadd.s32 s21, s3  }
0x9d: {  	[timem:s7], [sflag:s22] =	dma.local [hbm:s5], s20  }
0x9e: {  	_ =	swait.ge [sflag:s22], s20  }
0x9f: {  	s4 =	ssub.s32 $0x0, s20;
	[sflag:s22] =	ssyncset.done $0x0  }
0xa0: {  	[sflag:s22] =	ssyncadd.s32 s4;
	_ =	sdelay $0x1  }
0xa1: {  	s23 =	simm.s32 $0x1B8B  }
0xa2: {  	_ =	swait.ge [sflag:s23], $0x1  }
0xa3: {  	[sflag:s23] =	ssyncset.done $0x0  }
0xa4: {  	s25 =	simm.s32 $0x1B8E;
	s24 =	sld [smem:$0x3FFE];
	[sflag:s23] =	ssyncadd.s32 $0xFFFFFFFF  }
0xa5: {  	s26 =	simm.s32 $execute0_lowered;
	[smem:$0x3FD2] =	sst s25  }
0xa6: {  	s5 =	sshll.u32 s26, $0x1;
	_ =	strace $0x80000046;
	[dreg:$0x1] =	wrdreg $0xFFFFFFFF  }
0xa7: {  	s28 =	simm.s32 $_size_execute0_lowered;
	s3 =	sadd.s32 s3, s5;
	[dreg:$0x0] =	wrdreg $0x0  }
0xa8: {  	s5 =	sshll.u32 s28, $0x1;
	[dreg:$0x2] =	wrdreg s3  }
0xa9: {  	[dreg:$0x3] =	wrdreg s5  }
0xaa: {  	[dreg:$0x4] =	wrdreg $0xC0  }
0xab: {  	_ =	task [dreg:s7], $0x5FFFF  }
0xac: {  	[dreg:$0x1] =	wrdreg $0xFFFFFFFF  }
0xad: {  	[dreg:$0x0] =	wrdreg $0x60  }
0xae: {  	[dreg:$0x2] =	wrdreg s24  }
0xaf: {  	[dreg:$0x3] =	wrdreg s2  }
0xb0: {  	[dreg:$0x4] =	wrdreg $0x121600  }
0xb1: {  	[dreg:$0x5] =	wrdreg $0x149600  }
0xb2: {  	[dreg:$0x6] =	wrdreg $0x9  }
0xb3: {  	_ =	task.clear_ibuf [dreg:s7], $0x7FFFF;
	_ =	strace $0x90000046  }
0xb4: {  	s29 =	simm.s32 $0x9;
	_ =	strace $0x80000048  }
0xb5: {  	_ =	swait.ge [sflag:s29], $0x1  }
0xb6: {  	[sflag:s29] =	ssyncadd.s32 $0xFFFFFFFF  }
0xb7: {  	_ =	strace $0x90000048  }
0xb8: {  	_ =	sfence  }
0xb9: {  	s30 =	sld [smem:$0x0];
	_ =	sdelay $0x2  }
0xba: {  	s31 =	sshll.u32 s1, $0xD;
	s1 =	sshrl.u32 s1, $0x2  }
0xbb: {  	s3 =	sand.u32 $0x4000, s31;
	s1 =	sadd.s32 s1, s30  }
0xbc: {  	s0 =	sor.u32 s3, s0;
	s1 =	sshll.u32 s1, $0x11  }
0xbd: {  	s0 =	sor.u32 s1, s0  }
0xbe: {  	s0 =	sadd.s32 $0x8F2B, s0  }
0xbf: {  	[sflag:s0] =	ssyncadd.remote.s32 $0x1  }
0xc0: {  	_ =	sfence.sel $0xFFFF  }
0xc1: {  	[dreg:$0x0] =	wrdreg $0xFFFFFFFF;
	(pc) =	sbr.abs _section_cstart, $3  }
0xc2: {  	[dreg:$0x1] =	wrdreg $0xFFFFFFFF  }
0xc3: {  	_ =	task.clear_ibuf [dreg:s7], $0x2FFFF;
	_ =	strace $0x9FFFFFFF  }
0xc4: {  	(tm) =	ssettm $0x7FFFFFFF  }
0xc5: {  	_ =	shalt  }
tec
execute0_lowered:
.L_overlay_start_1:
0x0: {  	(tag) =	ssettag $0x1  }
0x1: {  	s0 =	rddreg [dreg:$0x0];
	s1 =	srdreg.scid  }
0x2: {  	s6 =	stileid.u32;
	s15 =	rddreg [dreg:$0x1]  }
0x3: {  	s2 =	rddreg [dreg:$0x2];
	s4 =	simm.s32 $0x0;
	s19 =	simm.s32 $0x5  }
0x4: {  	s21 =	simm.s32 $0x12110;
	s28 =	simm.s32 $0x2;
	s29 =	simm.s32 $0x2710  }
0x5: {  	s30 =	simm.s32 $0x0;
	s1 =	sand.u32 $0x1, s1;
	s3 =	sshll.u32 s6, $0x1  }
0x6: {  	s10 =	smul.u32 $0x280, s6;
	[smem:$0x7FF] =	sst s4;
	s11 =	sadd.s32 $0x4E3E00, s0  }
0x7: {  	s22 =	sadd.s32 $0xC400, s0;
	s23 =	sadd.s32 $0xBC00, s0;
	s14 =	smul.u32 $0x2800, s6  }
0x8: {  	s25 =	sshll.u32 s6, $0x6;
	s9 =	sor.u32 s1, s3;
	s3 =	rddreg [dreg:$0x3]  }
0x9: {  	s7 =	smul.u32 $0x2800, s1;
	_ =	strace $0x80000047;
	[dreg:$0x5] =	wrdreg s22  }
0xa: {  	[dreg:$0x6] =	wrdreg s23;
	s13 =	ssub.s32 $0x2, s1;
	s1 =	smul.u32 $0x28000, s1  }
0xb: {  	s22 =	simm.s32 $0x1;
	s23 =	simm.s32 $0xA410;
	s5 =	smul.u32 $0x4E2, s9  }
0xc: {  	s24 =	sshrl.u32 s13, $0x1;
	s26 =	smul.u32 $0x27100, s9;
	s18 =	sadd.s32 s14, s2  }
0xd: {  	s16 =	smul.u32 $0x4E20, s9;
	s20 =	sadd.s32 s10, s3;
	s8 =	sadd.s32 s10, s7  }
0xe: {  	s7 =	sadd.s32 $0xC200, s0;
	s17 =	ssub.s32 s13, s24;
	s1 =	sadd.s32 s14, s1  }
0xf: {  	s18 =	sshrl.u32 s18, $0x3;
	s20 =	sshrl.u32 s20, $0x3;
	s24 =	simm.s32 $0x50  }
0x10: {  	s12 =	sadd.s32 s5, s0;
	s8 =	sshrl.u32 s8, $0x3;
	s13 =	sshrl.u32 s26, $0x3  }
0x11: {  	s10 =	sadd.s32 s11, s16;
	s1 =	sshrl.u32 s1, $0x3;
	s17 =	smax.u32 s17, $0x1  }
0x12: {  	s26 =	simm.s32 $0x4;
	s0 =	sadd.s32 s8, s0;
	s8 =	sor.u32 $0x1C05, s25  }
0x13: {  	s9 =	sadd.s32 $0x1E00, s12;
	s31 =	sadd.s32 s11, s13;
	s15 =	sadd.s32 s15, s1  }
0x14: {  	s25 =	simm.s32 $0x3;
	s11 =	sadd.s32 $0xFA0, s31;
	s12 =	sadd.s32 $0x1F40, s31  }
0x15: {  	s13 =	sadd.s32 $0x2EE0, s31;
	s14 =	sadd.s32 $0x3E80, s31;
	s16 =	sadd.s32 $0xC600, s0  }
.LBB2_1:
0x16: {  	s0 =	rddreg [dreg:$0x6]  }
0x17: {  	[spmem:s18], [sflag:s8] =	dma.local [hbm:s0], $0x500  }
0x18: {  	_ =	swait.ge [sflag:s19], $0x500  }
0x19: {  	[sflag:s19] =	ssyncset.done $0x0  }
0x1a: {  	[sflag:s19] =	ssyncadd.s32 $0xFFFFFB00  }
0x1b: {  	[spmem:s20], [sflag:s8] =	dma.local [hbm:s7], $0x50  }
0x1c: {  	_ =	swait.ge [sflag:s19], $0x50  }
0x1d: {  	[sflag:s19] =	ssyncset.done $0x0  }
0x1e: {  	s5 =	rddreg [dreg:$0x5];
	[sflag:s19] =	ssyncadd.s32 $0xFFFFFFB0  }
0x1f: {  	[tilespmem:s21], [sflag:$0x5] =	stream.linear.gather [hbm4b:s5+s4], $0x50, $0x38;
	[tilespmem:$0x14BE0] =	vst v63  }
0x20: {  	_ =	swait.ge [sflag:s19], $0x50  }
0x21: {  	[sflag:s19] =	ssyncset.done $0x0  }
0x22: {  	[sflag:s19] =	ssyncadd.s32 $0xFFFFFFB0  }
0x23: {  	[tilespmem:s4], [sflag:$0x5] =	stream.linear.gather [hbm4b:s9+s4], $0x2710, $0x38;
	[tilespmem:$0x14BE0] =	vst v63  }
0x24: {  	_ =	swait.ge [sflag:s19], $0x2710  }
0x25: {  	[sflag:s19] =	ssyncset.done $0x0  }
0x26: {  	[sflag:s19] =	ssyncadd.s32 $0xFFFFD8F0  }
0x27: {  	[bflag:$0x0] =	sbarrier.arrive $0xFFFF  }
0x28: {  	[tilespmem:s29], [sflag:$0x1] =	stream.linear.gather [hbm4b:s10+s4], $0x7D00, $0x38;
	[tilespmem:$0x14BE0] =	vst v63  }
0x29: {  	_ =	swait.ge [sflag:s22], $0x7D00  }
0x2a: {  	[sflag:s22] =	ssyncset.done $0x0  }
0x2b: {  	[sflag:s22] =	ssyncadd.s32 $0xFFFF8300  }
0x2c: {  	[tilespmem:s23], [sflag:$0x2] =	stream.linear.gather [hbm4b:s11+s4], $0x7D00, $0x38;
	[tilespmem:$0x14BE0] =	vst v63  }
0x2d: {  	s6 =	simm.s32 $0x0  }
0x2e: {  	[spmem:s2] =	stream.indirect.scatter.add.f32 [tilespmem:s29], [sflag:$0x3], $0x10, s6, s24, $0xb8;
	[tilespmem:$0x14BE0] =	vst v63  }
0x2f: {  	_ = 	snop  }
0x30: {  	[spmem:s3] =	stream.indirect.scatter.add.f32 [tilespmem:s21], [sflag:$0x4], $0x1, s6, s24, $0xb8;
	[tilespmem:$0x14BE0] =	vst v63  }
0x31: {  	_ =	swait.ge [sflag:s25], $0x500  }
0x32: {  	[sflag:s25] =	ssyncset.done $0x0  }
0x33: {  	[sflag:s25] =	ssyncadd.s32 $0xFFFFFB00  }
0x34: {  	s31 =	simm.s32 $0x140;
	_ =	swait.ge [sflag:s26], $0x50  }
0x35: {  	s1 =	simm.s32 $0x2C10;
	s0 =	simm.s32 $0x280;
	[sflag:s26] =	ssyncset.done $0x0  }
.LBB2_2:
0x36: {  	s5 =	sshra.s32 s31, $0x2  }
0x37: {  	[sflag:s26] =	ssyncadd.s32 $0xFFFFFFB0;
	s31 =	smov.u32 s0;
	s6 =	sadd.s32 $0x140, s0  }
0x38: {  	[spmem:s2] =	stream.indirect.scatter.add.f32 [tilespmem:s1], [sflag:$0x3], $0x10, s5, s24, $0xb8;
	[tilespmem:$0x14BE0] =	vst v63  }
0x39: {  	p0 =	sne.s32 s0, $0x1E00  }
0x3a: {  	[spmem:s3] =	stream.indirect.scatter.add.f32 [tilespmem:s21], [sflag:$0x4], $0x1, s5, s24, $0xb8;
	[tilespmem:$0x14BE0] =	vst v63  }
.Ltmp0:
0x3b: {  	_ =	swait.ge [sflag:s25], $0x500;
	(pc) =	sbr.rel @p0 .LBB2_2-.Ltmp0, $4  }
0x3c: {  	[sflag:s25] =	ssyncset.done $0x0  }
0x3d: {  	[sflag:s25] =	ssyncadd.s32 $0xFFFFFB00  }
0x3e: {  	_ =	swait.ge [sflag:s26], $0x50  }
0x3f: {  	s1 =	sadd.s32 $0x500, s1;
	s0 =	smov.u32 s6;
	[sflag:s26] =	ssyncset.done $0x0  }
0x40: {  	s0 =	sshra.s32 s31, $0x2;
	[sflag:s26] =	ssyncadd.s32 $0xFFFFFFB0  }
0x41: {  	[spmem:s2] =	stream.indirect.scatter.add.f32 [tilespmem:s1], [sflag:$0x3], $0x10, s0, s24, $0xb8;
	[tilespmem:$0x14BE0] =	vst v63  }
0x42: {  	_ = 	snop  }
0x43: {  	[spmem:s3] =	stream.indirect.scatter.add.f32 [tilespmem:s21], [sflag:$0x4], $0x1, s0, s24, $0xb8;
	[tilespmem:$0x14BE0] =	vst v63  }
0x44: {  	_ =	swait.ge [sflag:s25], $0x500  }
0x45: {  	[sflag:s25] =	ssyncset.done $0x0  }
0x46: {  	[sflag:s25] =	ssyncadd.s32 $0xFFFFFB00  }
0x47: {  	_ =	swait.ge [sflag:s26], $0x50  }
0x48: {  	[sflag:s26] =	ssyncset.done $0x0  }
0x49: {  	[sflag:s26] =	ssyncadd.s32 $0xFFFFFFB0  }
0x4a: {  	_ =	swait.ge [sflag:s28], $0x7D00  }
0x4b: {  	[sflag:s28] =	ssyncset.done $0x0  }
0x4c: {  	s1 =	simm.s32 $0x0;
	[sflag:s28] =	ssyncadd.s32 $0xFFFF8300  }
0x4d: {  	[tilespmem:s29], [sflag:$0x1] =	stream.linear.gather [hbm4b:s12+s1], $0x7D00, $0x38;
	[tilespmem:$0x14BE0] =	vst v63  }
0x4e: {  	s5 =	simm.s32 $0xA410;
	s6 =	simm.s32 $0x7D0  }
0x4f: {  	[spmem:s2] =	stream.indirect.scatter.add.f32 [tilespmem:s5], [sflag:$0x3], $0x10, s6, s24, $0xb8;
	[tilespmem:$0x14BE0] =	vst v63  }
0x50: {  	_ = 	snop  }
0x51: {  	[spmem:s3] =	stream.indirect.scatter.add.f32 [tilespmem:s21], [sflag:$0x4], $0x1, s6, s24, $0xb8;
	[tilespmem:$0x14BE0] =	vst v63  }
0x52: {  	_ =	swait.ge [sflag:s25], $0x500  }
0x53: {  	[sflag:s25] =	ssyncset.done $0x0  }
0x54: {  	[sflag:s25] =	ssyncadd.s32 $0xFFFFFB00  }
0x55: {  	s31 =	simm.s32 $0xA910;
	_ =	swait.ge [sflag:s26], $0x50  }
0x56: {  	s0 =	simm.s32 $0x50;
	s1 =	simm.s32 $0x280;
	[sflag:s26] =	ssyncset.done $0x0  }
.LBB2_4:
0x57: {  	s0 =	sadd.s32 $0x7D0, s0  }
0x58: {  	[sflag:s26] =	ssyncadd.s32 $0xFFFFFFB0;
	s5 =	smov.u32 s1;
	s6 =	sadd.s32 $0x140, s1  }
0x59: {  	[spmem:s2] =	stream.indirect.scatter.add.f32 [tilespmem:s31], [sflag:$0x3], $0x10, s0, s24, $0xb8;
	[tilespmem:$0x14BE0] =	vst v63  }
0x5a: {  	p0 =	sne.s32 s1, $0x1E00  }
0x5b: {  	[spmem:s3] =	stream.indirect.scatter.add.f32 [tilespmem:s21], [sflag:$0x4], $0x1, s0, s24, $0xb8;
	[tilespmem:$0x14BE0] =	vst v63  }
.Ltmp1:
0x5c: {  	_ =	swait.ge [sflag:s25], $0x500;
	(pc) =	sbr.rel @p0 .LBB2_4-.Ltmp1, $4  }
0x5d: {  	[sflag:s25] =	ssyncset.done $0x0  }
0x5e: {  	[sflag:s25] =	ssyncadd.s32 $0xFFFFFB00  }
0x5f: {  	s31 =	sadd.s32 $0x500, s31;
	_ =	swait.ge [sflag:s26], $0x50  }
0x60: {  	s1 =	smov.u32 s6;
	s0 =	sshra.s32 s5, $0x2;
	[sflag:s26] =	ssyncset.done $0x0  }
0x61: {  	s0 =	sadd.s32 $0x7D0, s0;
	[sflag:s26] =	ssyncadd.s32 $0xFFFFFFB0  }
0x62: {  	[spmem:s2] =	stream.indirect.scatter.add.f32 [tilespmem:s31], [sflag:$0x3], $0x10, s0, s24, $0xb8;
	[tilespmem:$0x14BE0] =	vst v63  }
0x63: {  	_ = 	snop  }
0x64: {  	[spmem:s3] =	stream.indirect.scatter.add.f32 [tilespmem:s21], [sflag:$0x4], $0x1, s0, s24, $0xb8;
	[tilespmem:$0x14BE0] =	vst v63  }
0x65: {  	_ =	swait.ge [sflag:s25], $0x500  }
0x66: {  	[sflag:s25] =	ssyncset.done $0x0  }
0x67: {  	[sflag:s25] =	ssyncadd.s32 $0xFFFFFB00  }
0x68: {  	_ =	swait.ge [sflag:s26], $0x50  }
0x69: {  	[sflag:s26] =	ssyncset.done $0x0  }
0x6a: {  	[sflag:s26] =	ssyncadd.s32 $0xFFFFFFB0  }
0x6b: {  	_ =	swait.ge [sflag:s22], $0x7D00  }
0x6c: {  	[sflag:s22] =	ssyncset.done $0x0  }
0x6d: {  	s5 =	simm.s32 $0x0;
	[sflag:s22] =	ssyncadd.s32 $0xFFFF8300  }
0x6e: {  	[tilespmem:s23], [sflag:$0x2] =	stream.linear.gather [hbm4b:s13+s5], $0x7D00, $0x38;
	[tilespmem:$0x14BE0] =	vst v63  }
0x6f: {  	s6 =	simm.s32 $0x2710;
	s1 =	simm.s32 $0xFA0  }
0x70: {  	[spmem:s2] =	stream.indirect.scatter.add.f32 [tilespmem:s6], [sflag:$0x3], $0x10, s1, s24, $0xb8;
	[tilespmem:$0x14BE0] =	vst v63  }
0x71: {  	_ = 	snop  }
0x72: {  	[spmem:s3] =	stream.indirect.scatter.add.f32 [tilespmem:s21], [sflag:$0x4], $0x1, s1, s24, $0xb8;
	[tilespmem:$0x14BE0] =	vst v63  }
0x73: {  	_ =	swait.ge [sflag:s25], $0x500  }
0x74: {  	[sflag:s25] =	ssyncset.done $0x0  }
0x75: {  	[sflag:s25] =	ssyncadd.s32 $0xFFFFFB00  }
0x76: {  	s31 =	simm.s32 $0x2C10;
	_ =	swait.ge [sflag:s26], $0x50  }
0x77: {  	s0 =	simm.s32 $0x50;
	s1 =	simm.s32 $0x280;
	[sflag:s26] =	ssyncset.done $0x0  }
.LBB2_6:
0x78: {  	s0 =	sadd.s32 $0xFA0, s0  }
0x79: {  	[sflag:s26] =	ssyncadd.s32 $0xFFFFFFB0;
	s5 =	smov.u32 s1;
	s6 =	sadd.s32 $0x140, s1  }
0x7a: {  	[spmem:s2] =	stream.indirect.scatter.add.f32 [tilespmem:s31], [sflag:$0x3], $0x10, s0, s24, $0xb8;
	[tilespmem:$0x14BE0] =	vst v63  }
0x7b: {  	p0 =	sne.s32 s1, $0x1E00  }
0x7c: {  	[spmem:s3] =	stream.indirect.scatter.add.f32 [tilespmem:s21], [sflag:$0x4], $0x1, s0, s24, $0xb8;
	[tilespmem:$0x14BE0] =	vst v63  }
.Ltmp2:
0x7d: {  	_ =	swait.ge [sflag:s25], $0x500;
	(pc) =	sbr.rel @p0 .LBB2_6-.Ltmp2, $4  }
0x7e: {  	[sflag:s25] =	ssyncset.done $0x0  }
0x7f: {  	[sflag:s25] =	ssyncadd.s32 $0xFFFFFB00  }
0x80: {  	s31 =	sadd.s32 $0x500, s31;
	_ =	swait.ge [sflag:s26], $0x50  }
0x81: {  	s1 =	smov.u32 s6;
	s0 =	sshra.s32 s5, $0x2;
	[sflag:s26] =	ssyncset.done $0x0  }
0x82: {  	s0 =	sadd.s32 $0xFA0, s0;
	[sflag:s26] =	ssyncadd.s32 $0xFFFFFFB0  }
0x83: {  	[spmem:s2] =	stream.indirect.scatter.add.f32 [tilespmem:s31], [sflag:$0x3], $0x10, s0, s24, $0xb8;
	[tilespmem:$0x14BE0] =	vst v63  }
0x84: {  	_ = 	snop  }
0x85: {  	[spmem:s3] =	stream.indirect.scatter.add.f32 [tilespmem:s21], [sflag:$0x4], $0x1, s0, s24, $0xb8;
	[tilespmem:$0x14BE0] =	vst v63  }
0x86: {  	_ =	swait.ge [sflag:s25], $0x500  }
0x87: {  	[sflag:s25] =	ssyncset.done $0x0  }
0x88: {  	[sflag:s25] =	ssyncadd.s32 $0xFFFFFB00  }
0x89: {  	_ =	swait.ge [sflag:s26], $0x50  }
0x8a: {  	[sflag:s26] =	ssyncset.done $0x0  }
0x8b: {  	[sflag:s26] =	ssyncadd.s32 $0xFFFFFFB0  }
0x8c: {  	_ =	swait.ge [sflag:s28], $0x7D00  }
0x8d: {  	[sflag:s28] =	ssyncset.done $0x0  }
0x8e: {  	s5 =	simm.s32 $0x0;
	[sflag:s28] =	ssyncadd.s32 $0xFFFF8300  }
0x8f: {  	[tilespmem:s29], [sflag:$0x1] =	stream.linear.gather [hbm4b:s14+s5], $0x7D00, $0x38;
	[tilespmem:$0x14BE0] =	vst v63  }
0x90: {  	s6 =	simm.s32 $0xA410;
	s1 =	simm.s32 $0x1770  }
0x91: {  	[spmem:s2] =	stream.indirect.scatter.add.f32 [tilespmem:s6], [sflag:$0x3], $0x10, s1, s24, $0xb8;
	[tilespmem:$0x14BE0] =	vst v63  }
0x92: {  	_ = 	snop  }
0x93: {  	[spmem:s3] =	stream.indirect.scatter.add.f32 [tilespmem:s21], [sflag:$0x4], $0x1, s1, s24, $0xb8;
	[tilespmem:$0x14BE0] =	vst v63  }
0x94: {  	_ =	swait.ge [sflag:s25], $0x500  }
0x95: {  	[sflag:s25] =	ssyncset.done $0x0  }
0x96: {  	[sflag:s25] =	ssyncadd.s32 $0xFFFFFB00  }
0x97: {  	s31 =	simm.s32 $0xA910;
	_ =	swait.ge [sflag:s26], $0x50  }
0x98: {  	s0 =	simm.s32 $0x50;
	s1 =	simm.s32 $0x280;
	[sflag:s26] =	ssyncset.done $0x0  }
.LBB2_8:
0x99: {  	s0 =	sadd.s32 $0x1770, s0  }
0x9a: {  	[sflag:s26] =	ssyncadd.s32 $0xFFFFFFB0;
	s5 =	smov.u32 s1;
	s6 =	sadd.s32 $0x140, s1  }
0x9b: {  	[spmem:s2] =	stream.indirect.scatter.add.f32 [tilespmem:s31], [sflag:$0x3], $0x10, s0, s24, $0xb8;
	[tilespmem:$0x14BE0] =	vst v63  }
0x9c: {  	p0 =	sne.s32 s1, $0x1E00  }
0x9d: {  	[spmem:s3] =	stream.indirect.scatter.add.f32 [tilespmem:s21], [sflag:$0x4], $0x1, s0, s24, $0xb8;
	[tilespmem:$0x14BE0] =	vst v63  }
.Ltmp3:
0x9e: {  	_ =	swait.ge [sflag:s25], $0x500;
	(pc) =	sbr.rel @p0 .LBB2_8-.Ltmp3, $4  }
0x9f: {  	[sflag:s25] =	ssyncset.done $0x0  }
0xa0: {  	[sflag:s25] =	ssyncadd.s32 $0xFFFFFB00  }
0xa1: {  	s31 =	sadd.s32 $0x500, s31;
	_ =	swait.ge [sflag:s26], $0x50  }
0xa2: {  	s1 =	smov.u32 s6;
	s0 =	sshra.s32 s5, $0x2;
	[sflag:s26] =	ssyncset.done $0x0  }
0xa3: {  	s0 =	sadd.s32 $0x1770, s0;
	[sflag:s26] =	ssyncadd.s32 $0xFFFFFFB0  }
0xa4: {  	[spmem:s2] =	stream.indirect.scatter.add.f32 [tilespmem:s31], [sflag:$0x3], $0x10, s0, s24, $0xb8;
	[tilespmem:$0x14BE0] =	vst v63  }
0xa5: {  	_ = 	snop  }
0xa6: {  	[spmem:s3] =	stream.indirect.scatter.add.f32 [tilespmem:s21], [sflag:$0x4], $0x1, s0, s24, $0xb8;
	[tilespmem:$0x14BE0] =	vst v63  }
0xa7: {  	_ =	swait.ge [sflag:s25], $0x500  }
0xa8: {  	[sflag:s25] =	ssyncset.done $0x0  }
0xa9: {  	[sflag:s25] =	ssyncadd.s32 $0xFFFFFB00  }
0xaa: {  	_ =	swait.ge [sflag:s26], $0x50  }
0xab: {  	[sflag:s26] =	ssyncset.done $0x0  }
0xac: {  	[sflag:s26] =	ssyncadd.s32 $0xFFFFFFB0  }
0xad: {  	_ =	swait.ge [sflag:s22], $0x7D00  }
0xae: {  	[sflag:s22] =	ssyncset.done $0x0  }
0xaf: {  	s6 =	simm.s32 $0x2710;
	s1 =	simm.s32 $0x1F40;
	[sflag:s22] =	ssyncadd.s32 $0xFFFF8300  }
0xb0: {  	[spmem:s2] =	stream.indirect.scatter.add.f32 [tilespmem:s6], [sflag:$0x3], $0x10, s1, s24, $0xb8;
	[tilespmem:$0x14BE0] =	vst v63  }
0xb1: {  	_ = 	snop  }
0xb2: {  	[spmem:s3] =	stream.indirect.scatter.add.f32 [tilespmem:s21], [sflag:$0x4], $0x1, s1, s24, $0xb8;
	[tilespmem:$0x14BE0] =	vst v63  }
0xb3: {  	_ =	swait.ge [sflag:s25], $0x500  }
0xb4: {  	[sflag:s25] =	ssyncset.done $0x0  }
0xb5: {  	[sflag:s25] =	ssyncadd.s32 $0xFFFFFB00  }
0xb6: {  	s31 =	simm.s32 $0x2C10;
	_ =	swait.ge [sflag:s26], $0x50  }
0xb7: {  	s0 =	simm.s32 $0x50;
	s1 =	simm.s32 $0x280;
	[sflag:s26] =	ssyncset.done $0x0  }
.LBB2_10:
0xb8: {  	s0 =	sadd.s32 $0x1F40, s0  }
0xb9: {  	[sflag:s26] =	ssyncadd.s32 $0xFFFFFFB0;
	s5 =	smov.u32 s1;
	s6 =	sadd.s32 $0x140, s1  }
0xba: {  	[spmem:s2] =	stream.indirect.scatter.add.f32 [tilespmem:s31], [sflag:$0x3], $0x10, s0, s24, $0xb8;
	[tilespmem:$0x14BE0] =	vst v63  }
0xbb: {  	p0 =	sne.s32 s1, $0x1E00  }
0xbc: {  	[spmem:s3] =	stream.indirect.scatter.add.f32 [tilespmem:s21], [sflag:$0x4], $0x1, s0, s24, $0xb8;
	[tilespmem:$0x14BE0] =	vst v63  }
.Ltmp4:
0xbd: {  	_ =	swait.ge [sflag:s25], $0x500;
	(pc) =	sbr.rel @p0 .LBB2_10-.Ltmp4, $4  }
0xbe: {  	[sflag:s25] =	ssyncset.done $0x0  }
0xbf: {  	[sflag:s25] =	ssyncadd.s32 $0xFFFFFB00  }
0xc0: {  	s31 =	sadd.s32 $0x500, s31;
	_ =	swait.ge [sflag:s26], $0x50  }
0xc1: {  	s1 =	smov.u32 s6;
	s0 =	sshra.s32 s5, $0x2;
	[sflag:s26] =	ssyncset.done $0x0  }
0xc2: {  	s0 =	sadd.s32 $0x1F40, s0;
	[sflag:s26] =	ssyncadd.s32 $0xFFFFFFB0  }
0xc3: {  	[spmem:s2] =	stream.indirect.scatter.add.f32 [tilespmem:s31], [sflag:$0x3], $0x10, s0, s24, $0xb8;
	[tilespmem:$0x14BE0] =	vst v63  }
0xc4: {  	_ = 	snop  }
0xc5: {  	[spmem:s3] =	stream.indirect.scatter.add.f32 [tilespmem:s21], [sflag:$0x4], $0x1, s0, s24, $0xb8;
	[tilespmem:$0x14BE0] =	vst v63  }
0xc6: {  	_ =	swait.ge [sflag:s25], $0x500  }
0xc7: {  	[sflag:s25] =	ssyncset.done $0x0  }
0xc8: {  	[sflag:s25] =	ssyncadd.s32 $0xFFFFFB00  }
0xc9: {  	_ =	swait.ge [sflag:s26], $0x50  }
0xca: {  	[sflag:s26] =	ssyncset.done $0x0  }
0xcb: {  	[sflag:s26] =	ssyncadd.s32 $0xFFFFFFB0  }
0xcc: {  	[bflag:$0x0] =	sbarrier.arrive $0xFFFF  }
0xcd: {  	[hbm:s15], [sflag:s8] =	dma.local [spmem:s18], $0x500  }
0xce: {  	s30 =	sadd.s32 $0x1, s30;
	_ =	swait.ge [sflag:s19], $0x500  }
0xcf: {  	p0 =	sne.s32 s30, s17;
	[sflag:s19] =	ssyncset.done $0x0  }
.Ltmp5:
0xd0: {  	[sflag:s19] =	ssyncadd.s32 $0xFFFFFB00;
	(pc) =	sbr.rel @p0 .LBB2_1-.Ltmp5, $4  }
0xd1: {  	[hbm:s16], [sflag:s8] =	dma.local [spmem:s20], $0x50  }
0xd2: {  	_ =	swait.ge [sflag:s19], $0x50  }
0xd3: {  	[sflag:s19] =	ssyncset.done $0x0  }
0xd4: {  	[sflag:s19] =	ssyncadd.s32 $0xFFFFFFB0  }
0xd5: {  	_ =	sfence.sel $0x180000  }
0xd6: {  	[bflag:$0x0] =	sbarrier.arrive $0xFFFF  }
0xd7: {  	_ =	strace $0x90000047  }
0xd8: {  	s0 =	stileid.u32;
	[bflag:$0x2] =	sbarrier.arrive $0xFFFF  }
0xd9: {  	p0 =	sne.s32 s0, $0x0;
	s0 =	rddreg [dreg:$0x4]  }
0xda: {  	s0 =	sadd.s32 @!p0 $0x100000, s0  }
0xdb: {  	[sflag:s0] =	ssyncadd.tile.s32 @!p0 $0x1;
	_ =	shalt  }
.Lfunc_end2:
_tile_overlayer_lowered:
.L_overlay_start_2:
0xdc: {  	(tag) =	ssettag $0x2  }
0xdd: {  	s0 =	rddreg [dreg:$0x0];
	s2 =	stileid.u32  }
0xde: {  	s1 =	rddreg [dreg:$0x1];
	p0 =	sne.s32 s2, $0x0  }
0xdf: {  	s3 =	rddreg [dreg:$0x2];
	[bflag:$0x3] =	sbarrier.arrive $0xFFFF;
	s2 =	simm.s32 @!p0 $0x1C05  }
0xe0: {  	[timem:s3], [sflag:s2] =	dma.local @!p0 [hbm:s0], s1  }
0xe1: {  	s0 =	simm.s32 @!p0 $0x5  }
0xe2: {  	_ =	swait.ge @!p0 [sflag:s0], s1  }
0xe3: {  	s1 =	ssub.s32 @!p0 $0x0, s1;
	[sflag:s0] =	ssyncset.done @!p0 $0x0  }
0xe4: {  	[sflag:s0] =	ssyncadd.s32 @!p0 s1  }
0xe5: {  	[bflag:$0x3] =	sbarrier.arrive $0xFFFF  }
0xe6: {  	_ =	shalt  }

</sc_bundles>
